<compile_context>
chip_gen: v7x
topology: tpu7x:2x2x1
jax: 0.10.2.dev20260603
libtpu: 0.0.44.dev20260713+nightly
codegen_flags: <defaults>
</compile_context>

<pallas_src>
import functools

import jax
import jax.numpy as jnp
from jax import lax
from jax.experimental import pallas as pl
from jax.experimental.pallas import tpu as pltpu
from jax.experimental.pallas import tpu_sc as plsc

N = 10000
E = 320000
D = 128
DE = 16
H = 64
HP = 128

NC = 2
NS = 16
NW = NC * NS

BATCH = 80
NIT = 125
EPW = NIT * BATCH
NP = 10240
RPS = NP // NS

POST_PAD = 2048
PPW = POST_PAD // NW

_mesh = lambda: plsc.VectorSubcoreMesh(core_axis_name="c", subcore_axis_name="s")



def _zero_acc(zeros_hbm, acc_sh, s):
    pltpu.sync_copy(zeros_hbm, acc_sh.at[pl.ds(s * RPS, RPS)])


def _flush_acc(acc_sh, out_hbm, c, s):
    pltpu.sync_copy(acc_sh.at[pl.ds(s * RPS, RPS)],
                    out_hbm.at[c].at[pl.ds(s * RPS, RPS)])


@functools.partial(
    pl.kernel,
    out_type=jax.ShapeDtypeStruct((NC, NP, H), jnp.float32),
    mesh=_mesh(),
    compiler_params=pltpu.CompilerParams(use_tc_tiling_on_sc=False),
    scratch_types=[
        pltpu.VMEM((EPW,), jnp.int32),
        pltpu.VMEM((NIT, BATCH), jnp.int32),
        pltpu.VMEM((BATCH, H), jnp.float32),
        pltpu.VMEM((BATCH, H), jnp.float32),
        pltpu.VMEM_SHARED((NP, H), jnp.float32),
        pltpu.SemaphoreType.DMA,
        pltpu.SemaphoreType.DMA,
        pltpu.SemaphoreType.DMA,
        pltpu.SemaphoreType.DMA,
    ],
)
def _sc_gather_scatter(emb_hbm, src_hbm, dst_hbm, zeros_hbm, out_hbm,
                       src_v, dst_v, rows0, rows1, acc_sh, gs0, gs1, ss0, ss1):
    c = lax.axis_index("c")
    s = lax.axis_index("s")
    w = s * NC + c
    _zero_acc(zeros_hbm, acc_sh, s)
    plsc.subcore_barrier()
    pltpu.sync_copy(src_hbm.at[w], src_v)
    pltpu.sync_copy(dst_hbm.at[w], dst_v)

    def gather(j, buf, sem):
        off = pl.multiple_of(j * BATCH, BATCH)
        return pltpu.async_copy(emb_hbm.at[src_v.at[pl.ds(off, BATCH)]],
                                buf, sem)

    def drain_scatters(j0, j1):
        pltpu.make_async_copy(rows0, acc_sh.at[dst_v.at[j0]], ss0).wait()
        pltpu.make_async_copy(rows1, acc_sh.at[dst_v.at[j1]], ss1).wait()

    def body(k, carry):
        j0 = 2 * k
        j1 = 2 * k + 1

        @pl.when(k > 0)
        def _():
            drain_scatters(j0 - 2, j1 - 2)

        d0 = gather(j0, rows0, gs0)
        d1 = gather(j1, rows1, gs1)
        d0.wait()
        pltpu.async_copy(rows0, acc_sh.at[dst_v.at[j0]], ss0, add=True)
        d1.wait()
        pltpu.async_copy(rows1, acc_sh.at[dst_v.at[j1]], ss1, add=True)
        return carry

    lax.fori_loop(0, NIT // 2, body, 0)
    drain_scatters(NIT - 3, NIT - 2)
    gather(NIT - 1, rows0, gs0).wait()
    pltpu.sync_copy(rows0, acc_sh.at[dst_v.at[NIT - 1]], add=True)
    plsc.subcore_barrier()
    _flush_acc(acc_sh, out_hbm, c, s)


@functools.partial(
    pl.kernel,
    out_type=jax.ShapeDtypeStruct((NC, NP, H), jnp.float32),
    mesh=_mesh(),
    compiler_params=pltpu.CompilerParams(use_tc_tiling_on_sc=False),
    scratch_types=[
        pltpu.VMEM((NIT, BATCH), jnp.int32),
        pltpu.VMEM((BATCH, H), jnp.float32),
        pltpu.VMEM((BATCH, H), jnp.float32),
        pltpu.VMEM_SHARED((NP, H), jnp.float32),
        pltpu.SemaphoreType.DMA,
        pltpu.SemaphoreType.DMA,
        pltpu.SemaphoreType.DMA,
        pltpu.SemaphoreType.DMA,
    ],
)
def _sc_scatter_add(vals_hbm, dst_hbm, zeros_hbm, out_hbm,
                    dst_v, rows0, rows1, acc_sh, gs0, gs1, ss0, ss1):
    c = lax.axis_index("c")
    s = lax.axis_index("s")
    w = s * NC + c
    _zero_acc(zeros_hbm, acc_sh, s)
    plsc.subcore_barrier()
    pltpu.sync_copy(dst_hbm.at[w], dst_v)

    def drain_scatters(j0, j1):
        pltpu.make_async_copy(rows0, acc_sh.at[dst_v.at[j0]], ss0).wait()
        pltpu.make_async_copy(rows1, acc_sh.at[dst_v.at[j1]], ss1).wait()

    def body(k, carry):
        j0 = 2 * k
        j1 = 2 * k + 1

        @pl.when(k > 0)
        def _():
            drain_scatters(j0 - 2, j1 - 2)

        d0 = pltpu.async_copy(vals_hbm.at[w].at[j0], rows0, gs0)
        d1 = pltpu.async_copy(vals_hbm.at[w].at[j1], rows1, gs1)
        d0.wait()
        pltpu.async_copy(rows0, acc_sh.at[dst_v.at[j0]], ss0, add=True)
        d1.wait()
        pltpu.async_copy(rows1, acc_sh.at[dst_v.at[j1]], ss1, add=True)
        return carry

    lax.fori_loop(0, NIT // 2, body, 0)
    drain_scatters(NIT - 3, NIT - 2)
    pltpu.async_copy(vals_hbm.at[w].at[NIT - 1], rows0, gs0).wait()
    pltpu.sync_copy(rows0, acc_sh.at[dst_v.at[NIT - 1]], add=True)
    plsc.subcore_barrier()
    _flush_acc(acc_sh, out_hbm, c, s)


@functools.partial(
    pl.kernel,
    out_type=jax.ShapeDtypeStruct((POST_PAD, HP), jnp.float32),
    mesh=_mesh(),
    scratch_types=[
        pltpu.VMEM((PPW,), jnp.int32),
        pltpu.VMEM((PPW, HP), jnp.float32),
        pltpu.SemaphoreType.DMA,
    ],
)
def _sc_gather_rows(emb_hbm, idx_hbm, out_hbm, idx_v, rows_v, sem):
    c = lax.axis_index("c")
    s = lax.axis_index("s")
    w = s * NC + c
    pltpu.sync_copy(idx_hbm.at[pl.ds(w * PPW, PPW)], idx_v)
    pltpu.async_copy(emb_hbm.at[idx_v], rows_v, sem).wait()
    pltpu.sync_copy(rows_v, out_hbm.at[pl.ds(w * PPW, PPW)])



def _dotT(x, w):
    return lax.dot_general(x, w, (((1,), (1,)), ((), ())),
                           preferred_element_type=jnp.float32)


def _node_encode_body(nf_ref, w_ref, b_ref, out_ref):
    out_ref[...] = jnp.maximum(_dotT(nf_ref[...], w_ref[...]) + b_ref[...], 0.0)


def _node_encode(nf, w_ne_p, b_ne_p):
    return pl.pallas_call(
        _node_encode_body,
        out_shape=jax.ShapeDtypeStruct((N, HP), jnp.float32),
    )(nf, w_ne_p, b_ne_p)


_BE2 = 2000


def _edge_term_body(ea_ref, wee_ref, bee_ref, wa2_ref, bagg_ref, out_ref):
    emb = jnp.maximum(_dotT(ea_ref[...], wee_ref[...]) + bee_ref[...], 0.0)
    out_ref[...] = _dotT(emb, wa2_ref[...]) + bagg_ref[...]


def _edge_term(ea2, w2ee, b2ee, w2a2, b2agg):
    full = lambda shape: pl.BlockSpec(shape, lambda i: (0,) * len(shape))
    return pl.pallas_call(
        _edge_term_body,
        grid=(E // 2 // _BE2,),
        in_specs=[
            pl.BlockSpec((_BE2, 2 * DE), lambda i: (i, 0)),
            full((2 * H, 2 * DE)),
            full((1, 2 * H)),
            full((2 * H, 2 * H)),
            full((1, 2 * H)),
        ],
        out_specs=pl.BlockSpec((_BE2, 2 * H), lambda i: (i, 0)),
        out_shape=jax.ShapeDtypeStruct((E // 2, 2 * H), jnp.float32),
    )(ea2, w2ee, b2ee, w2a2, b2agg)


_BN = 2000


def _gru_body(sp_ref, cp_ref, h_ref, wa1_ref,
              wir_ref, wiz_ref, win_ref, bir_ref, biz_ref, bin_ref,
              whr_ref, whz_ref, whn_ref, bhr_ref, bhz_ref, bhn_ref,
              out_ref):
    S = sp_ref[0] + sp_ref[1]
    C = cp_ref[0] + cp_ref[1]
    h = h_ref[:, :H]
    msgs = _dotT(S, wa1_ref[...]) + C
    i_r = _dotT(msgs, wir_ref[...]) + bir_ref[...]
    i_z = _dotT(msgs, wiz_ref[...]) + biz_ref[...]
    i_n = _dotT(msgs, win_ref[...]) + bin_ref[...]
    h_r = _dotT(h, whr_ref[...]) + bhr_ref[...]
    h_z = _dotT(h, whz_ref[...]) + bhz_ref[...]
    h_n = _dotT(h, whn_ref[...]) + bhn_ref[...]
    r = jax.nn.sigmoid(i_r + h_r)
    z = jax.nn.sigmoid(i_z + h_z)
    n = jnp.tanh(i_n + r * h_n)
    out_ref[:, :H] = (1.0 - z) * n + z * h
    out_ref[:, H:] = jnp.zeros((_BN, HP - H), jnp.float32)


def _gru_update(sp, cp, h, wa1, wi, bi, wh, bh):
    full = lambda shape: pl.BlockSpec(shape, lambda i: (0,) * len(shape))
    wir, wiz, win = wi[:H], wi[H:2 * H], wi[2 * H:]
    whr, whz, whn = wh[:H], wh[H:2 * H], wh[2 * H:]
    bir, biz, bin_ = bi[:, :H], bi[:, H:2 * H], bi[:, 2 * H:]
    bhr, bhz, bhn = bh[:, :H], bh[:, H:2 * H], bh[:, 2 * H:]
    w_spec = full((H, H))
    b_spec = full((1, H))
    return pl.pallas_call(
        _gru_body,
        grid=(N // _BN,),
        in_specs=[
            pl.BlockSpec((NC, _BN, H), lambda i: (0, i, 0)),
            pl.BlockSpec((NC, _BN, H), lambda i: (0, i, 0)),
            pl.BlockSpec((_BN, HP), lambda i: (i, 0)),
            w_spec,
            w_spec, w_spec, w_spec, b_spec, b_spec, b_spec,
            w_spec, w_spec, w_spec, b_spec, b_spec, b_spec,
        ],
        out_specs=pl.BlockSpec((_BN, HP), lambda i: (i, 0)),
        out_shape=jax.ShapeDtypeStruct((N, HP), jnp.float32),
    )(sp, cp, h, wa1, wir, wiz, win, bir, biz, bin_,
      whr, whz, whn, bhr, bhz, bhn)


def _head_body(post_ref, wo1_ref, bo1_ref, wo2_ref, bo2s_ref, out_ref):
    h1 = jnp.maximum(_dotT(post_ref[...], wo1_ref[...]) + bo1_ref[...], 0.0)
    t = h1 * wo2_ref[...] + bo2s_ref[...]
    out_ref[...] = jax.nn.sigmoid(jnp.sum(t, axis=1, keepdims=True))


def _head(post, w_o1_p, b_o1, w_o2, b_o2):
    bo2_spread = jnp.broadcast_to(b_o2 / (H // 2), (1, H // 2))
    return pl.pallas_call(
        _head_body,
        out_shape=jax.ShapeDtypeStruct((POST_PAD, 1), jnp.float32),
    )(post, w_o1_p, b_o1, w_o2, bo2_spread)



def kernel(node_features, edge_index, edge_attr, post_mask, n_layers,
           W_ne, b_ne, W_ee, b_ee, W_agg, b_agg,
           W_ih, b_ih, W_hh, b_hh, W_o1, b_o1, W_o2, b_o2):
    del n_layers
    src = edge_index[0].astype(jnp.int32).reshape(NW, EPW)
    dst = edge_index[1].astype(jnp.int32).reshape(NW, NIT, BATCH)
    zeros = jnp.zeros((RPS, HP), jnp.float32)
    zeros64 = jnp.zeros((RPS, H), jnp.float32)
    wa1 = W_agg[:, :H]
    wa2 = W_agg[:, H:]
    b2 = lambda b: b.reshape(1, -1)
    padr = lambda w: jnp.pad(w, ((0, HP - w.shape[0]), (0, 0)))
    padc = lambda w: jnp.pad(w, ((0, 0), (0, HP - w.shape[1])))

    bd = lambda wm: jnp.zeros(
        (2 * wm.shape[0], 2 * wm.shape[1]), jnp.float32
    ).at[:wm.shape[0], :wm.shape[1]].set(wm).at[wm.shape[0]:, wm.shape[1]:].set(wm)
    dup = lambda b: jnp.concatenate([b, b], axis=1)

    emb = _node_encode(node_features, padr(W_ne), padc(b2(b_ne)))
    sp = _sc_gather_scatter(emb[:, :H], src, dst, zeros64)
    ea2 = edge_attr.reshape(E // 2, 2 * DE)
    eterm2 = _edge_term(ea2, bd(W_ee), dup(b2(b_ee)), bd(wa2), dup(b2(b_agg)))
    cp = _sc_scatter_add(eterm2.reshape(NW, NIT, BATCH, H), dst, zeros64)

    for layer in range(2):
        if layer:
            sp = _sc_gather_scatter(emb[:, :H], src, dst, zeros64)
        emb = _gru_update(sp, cp, emb, wa1, W_ih, b2(b_ih), W_hh, b2(b_hh))

    pm = jnp.concatenate(
        [post_mask.astype(jnp.int32),
         jnp.zeros((POST_PAD - post_mask.shape[0],), jnp.int32)])
    post = _sc_gather_rows(emb, pm)
    probs = _head(post, padc(W_o1), b2(b_o1), W_o2, b2(b_o2))
    return probs[:post_mask.shape[0], 0]

# --- scband reference (transcript-rebuilt; emitter-appended) ---
"""Pipeline reference for scband-tgn-37460704755811 (READ-ONLY COPY).

The authoritative reference and input builder live on the scoring server;
editing this copy changes nothing except your own understanding.
"""

import jax, jax.numpy as jnp
import numpy as np

N = 10000
E = 320000
D = 128
DE = 16
H = 64

def setup_inputs(seed: int = 0) -> dict:
    key = jax.random.key(seed)
    ks = jax.random.split(key, 20)
    inp = {}
    inp["node_features"] = jax.random.normal(ks[0], (N, D), dtype=jnp.float32)
    inp["edge_index"] = jax.random.randint(ks[1], (2, E), 0, N, dtype=jnp.int64 if jax.config.jax_enable_x64 else jnp.int32)
    inp["edge_attr"] = jax.random.normal(ks[2], (E, DE), dtype=jnp.float32)
    inp["post_mask"] = jax.random.randint(ks[3], (2000,), 0, N, dtype=jnp.int64 if jax.config.jax_enable_x64 else jnp.int32)
    inp["n_layers"] = 2
    s = 0.05
    inp["W_ne"] = jax.random.normal(ks[4], (H, D), dtype=jnp.float32) * s
    inp["b_ne"] = jnp.zeros((H,), dtype=jnp.float32)
    inp["W_ee"] = jax.random.normal(ks[5], (H, DE), dtype=jnp.float32) * s
    inp["b_ee"] = jnp.zeros((H,), dtype=jnp.float32)
    inp["W_agg"] = jax.random.normal(ks[6], (H, 2 * H), dtype=jnp.float32) * s
    inp["b_agg"] = jnp.zeros((H,), dtype=jnp.float32)
    inp["W_ih"] = jax.random.normal(ks[7], (3 * H, H), dtype=jnp.float32) * s
    inp["b_ih"] = jnp.zeros((3 * H,), dtype=jnp.float32)
    inp["W_hh"] = jax.random.normal(ks[8], (3 * H, H), dtype=jnp.float32) * s
    inp["b_hh"] = jnp.zeros((3 * H,), dtype=jnp.float32)
    inp["W_o1"] = jax.random.normal(ks[9], (H // 2, H), dtype=jnp.float32) * s
    inp["b_o1"] = jnp.zeros((H // 2,), dtype=jnp.float32)
    inp["W_o2"] = jax.random.normal(ks[10], (1, H // 2), dtype=jnp.float32) * s
    inp["b_o2"] = jnp.zeros((1,), dtype=jnp.float32)
    return inp

def reference(node_features, edge_index, edge_attr, post_mask, n_layers,
              W_ne, b_ne, W_ee, b_ee, W_agg, b_agg,
              W_ih, b_ih, W_hh, b_hh, W_o1, b_o1, W_o2, b_o2):
    def gru_cell(x, h):
        gi = x @ W_ih.T + b_ih
        gh = h @ W_hh.T + b_hh
        i_r, i_z, i_n = jnp.split(gi, 3, axis=1)
        h_r, h_z, h_n = jnp.split(gh, 3, axis=1)
        r = jax.nn.sigmoid(i_r + h_r)
        z = jax.nn.sigmoid(i_z + h_z)
        n = jnp.tanh(i_n + r * h_n)
        return (1.0 - z) * n + z * h

    node_emb = jax.nn.relu(node_features @ W_ne.T + b_ne)
    edge_emb = jax.nn.relu(edge_attr @ W_ee.T + b_ee)
    src = edge_index[0]
    dst = edge_index[1]
    def layer_body(_, node_emb):
        msg_in = jnp.concatenate([jnp.take(node_emb, src, axis=0), edge_emb], axis=1)
        msg = msg_in @ W_agg.T + b_agg
        messages = jnp.zeros_like(node_emb).at[dst].add(msg)
        return gru_cell(messages, node_emb)
    node_emb = jax.lax.fori_loop(0, n_layers, layer_body, node_emb)
    post = jnp.take(node_emb, post_mask, axis=0)
    h1 = jax.nn.relu(post @ W_o1.T + b_o1)
    logits = (h1 @ W_o2.T + b_o2).squeeze(-1)
    return jax.nn.sigmoid(logits)

if __name__ == "__main__":
    import jax
    _d = setup_inputs()
    print(jax.jit(kernel)(*tuple(_d.values())))

</pallas_src>

<mosaic_0001>
#map = affine_map<(d0, d1) -> (0, 0)>
#map1 = affine_map<(d0, d1) -> (0)>
module attributes {stable_mosaic.version = 14 : i64} {
  func.func @_sc_gather_rows(%arg0: i32, %arg1: i32, %arg2: memref<10000x128xf32, #tpu.memory_space<hbm>>, %arg3: memref<2048xi32, #tpu.memory_space<hbm>>, %arg4: memref<2048x128xf32, #tpu.memory_space<hbm>>, %arg5: memref<64xi32, #tpu.memory_space<vmem>>, %arg6: memref<64x128xf32, #tpu.memory_space<vmem>>, %arg7: memref<!tpu.dma_semaphore, #tpu.memory_space<semaphore_mem>>) attributes {dimension_semantics = [#tpu.dimension_semantics<core_parallel>, #tpu.dimension_semantics<subcore_parallel>], iteration_bounds = array<i64: 2, 16>, scalar_prefetch = 0 : i64, scratch_operands = 3 : i64, tpu.core_type = #tpu.core_type<sc_vector_subcore>, window_params = [{transform_indices = #map}, {transform_indices = #map1}, {transform_indices = #map}]} {
    %mul3A = arith.constant 2 : i32
    %mul3A_0 = arith.muli %arg1, %mul3A : i32
    %add3A = arith.addi %mul3A_0, %arg0 : i32
    %mul3A_1 = arith.constant 64 : i32
    %mul3A_2 = arith.muli %add3A, %mul3A_1 : i32
    "tpu.region"() ({
      %run_scoped3A = tpu.sem_alloc : memref<!tpu.dma_semaphore, #tpu.memory_space<semaphore_mem>>
      %dma_start3A_9 = tpu.memref_slice %arg3[%mul3A_2] : memref<2048xi32, #tpu.memory_space<hbm>> -> memref<64xi32, #tpu.memory_space<hbm>>
      %dma_start3A_10 = tpu.memref_slice %arg3[%mul3A_2] : memref<2048xi32, #tpu.memory_space<hbm>> -> memref<64xi32, #tpu.memory_space<hbm>>
      tpu.enqueue_dma source(%dma_start3A_10 : memref<64xi32, #tpu.memory_space<hbm>>) target(%arg5 : memref<64xi32, #tpu.memory_space<vmem>>) target_semaphore(%run_scoped3A : memref<!tpu.dma_semaphore, #tpu.memory_space<semaphore_mem>>)
      %dma_wait3A_11 = tpu.memref_slice %arg3[%mul3A_2] : memref<2048xi32, #tpu.memory_space<hbm>> -> memref<64xi32, #tpu.memory_space<hbm>>
      %dma_wait3A_12 = tpu.memref_slice %arg3[%mul3A_2] : memref<2048xi32, #tpu.memory_space<hbm>> -> memref<64xi32, #tpu.memory_space<hbm>>
      tpu.wait_dma2 semaphore(%run_scoped3A : memref<!tpu.dma_semaphore, #tpu.memory_space<semaphore_mem>>) src(%dma_wait3A_12 : memref<64xi32, #tpu.memory_space<hbm>>) dst(%arg5 : memref<64xi32, #tpu.memory_space<vmem>>)
      tpu.yield
    }) : () -> ()
    %dma_start3A = arith.constant 0 : i32
    %dma_start3A_3 = arith.constant 0 : i32
    %dma_start3A_4 = tpu.memref_slice %arg2[%dma_start3A, %dma_start3A_3] : memref<10000x128xf32, #tpu.memory_space<hbm>> -> memref<10000x128xf32, #tpu.memory_space<hbm>>
    tpu.enqueue_indirect_dma source(%dma_start3A_4 : memref<10000x128xf32, #tpu.memory_space<hbm>>) target(%arg6 : memref<64x128xf32, #tpu.memory_space<vmem>>) offsets(%arg5 : memref<64xi32, #tpu.memory_space<vmem>>) semaphore(%arg7 : memref<!tpu.dma_semaphore, #tpu.memory_space<semaphore_mem>>)
    %dma_wait3A = arith.constant 0 : i32
    %dma_wait3A_5 = arith.constant 0 : i32
    %dma_wait3A_6 = tpu.memref_slice %arg2[%dma_wait3A, %dma_wait3A_5] : memref<10000x128xf32, #tpu.memory_space<hbm>> -> memref<10000x128xf32, #tpu.memory_space<hbm>>
    tpu.wait_indirect_dma semaphore(%arg7 : memref<!tpu.dma_semaphore, #tpu.memory_space<semaphore_mem>>) src(%dma_wait3A_6 : memref<10000x128xf32, #tpu.memory_space<hbm>>) dst(%arg6 : memref<64x128xf32, #tpu.memory_space<vmem>>)
    %mul3A_7 = arith.constant 64 : i32
    %mul3A_8 = arith.muli %add3A, %mul3A_7 : i32
    "tpu.region"() ({
      %run_scoped3A = tpu.sem_alloc : memref<!tpu.dma_semaphore, #tpu.memory_space<semaphore_mem>>
      %dma_start3A_9 = arith.constant 0 : i32
      %dma_start3A_10 = tpu.memref_slice %arg4[%mul3A_8, %dma_start3A_9] : memref<2048x128xf32, #tpu.memory_space<hbm>> -> memref<64x128xf32, #tpu.memory_space<hbm>>
      %dma_start3A_11 = arith.constant 0 : i32
      %dma_start3A_12 = tpu.memref_slice %arg4[%mul3A_8, %dma_start3A_11] : memref<2048x128xf32, #tpu.memory_space<hbm>> -> memref<64x128xf32, #tpu.memory_space<hbm>>
      tpu.enqueue_dma source(%arg6 : memref<64x128xf32, #tpu.memory_space<vmem>>) target(%dma_start3A_12 : memref<64x128xf32, #tpu.memory_space<hbm>>) target_semaphore(%run_scoped3A : memref<!tpu.dma_semaphore, #tpu.memory_space<semaphore_mem>>)
      %dma_wait3A_13 = arith.constant 0 : i32
      %dma_wait3A_14 = tpu.memref_slice %arg4[%mul3A_8, %dma_wait3A_13] : memref<2048x128xf32, #tpu.memory_space<hbm>> -> memref<64x128xf32, #tpu.memory_space<hbm>>
      %dma_wait3A_15 = arith.constant 0 : i32
      %dma_wait3A_16 = tpu.memref_slice %arg4[%mul3A_8, %dma_wait3A_15] : memref<2048x128xf32, #tpu.memory_space<hbm>> -> memref<64x128xf32, #tpu.memory_space<hbm>>
      tpu.wait_dma2 semaphore(%run_scoped3A : memref<!tpu.dma_semaphore, #tpu.memory_space<semaphore_mem>>) src(%arg6 : memref<64x128xf32, #tpu.memory_space<vmem>>) dst(%dma_wait3A_16 : memref<64x128xf32, #tpu.memory_space<hbm>>)
      tpu.yield
    }) : () -> ()
    return
  }
}

#map = affine_map<(d0, d1) -> (0, 0, 0, 0)>
#map1 = affine_map<(d0, d1) -> (0, 0, 0)>
#map2 = affine_map<(d0, d1) -> (0, 0)>
module attributes {stable_mosaic.version = 14 : i64} {
  func.func @_sc_scatter_add(%arg0: i32, %arg1: i32, %arg2: memref<32x125x80x64xf32, #tpu.memory_space<hbm>>, %arg3: memref<32x125x80xi32, #tpu.memory_space<hbm>>, %arg4: memref<640x64xf32, #tpu.memory_space<hbm>>, %arg5: memref<2x10240x64xf32, #tpu.memory_space<hbm>>, %arg6: memref<125x80xi32, #tpu.memory_space<vmem>>, %arg7: memref<80x64xf32, #tpu.memory_space<vmem>>, %arg8: memref<80x64xf32, #tpu.memory_space<vmem>>, %arg9: memref<10240x64xf32, #tpu.memory_space<vmem_shared>>, %arg10: memref<!tpu.dma_semaphore, #tpu.memory_space<semaphore_mem>>, %arg11: memref<!tpu.dma_semaphore, #tpu.memory_space<semaphore_mem>>, %arg12: memref<!tpu.dma_semaphore, #tpu.memory_space<semaphore_mem>>, %arg13: memref<!tpu.dma_semaphore, #tpu.memory_space<semaphore_mem>>) attributes {dimension_semantics = [#tpu.dimension_semantics<core_parallel>, #tpu.dimension_semantics<subcore_parallel>], iteration_bounds = array<i64: 2, 16>, scalar_prefetch = 0 : i64, scratch_operands = 8 : i64, tpu.core_type = #tpu.core_type<sc_vector_subcore>, window_params = [{transform_indices = #map}, {transform_indices = #map1}, {transform_indices = #map2}, {transform_indices = #map1}]} {
    %mul3A = arith.constant 2 : i32
    %mul3A_0 = arith.muli %arg1, %mul3A : i32
    %add3A = arith.addi %mul3A_0, %arg0 : i32
    %mul3A_1 = arith.constant 640 : i32
    %mul3A_2 = arith.muli %arg1, %mul3A_1 : i32
    "tpu.region"() ({
      %run_scoped3A_63 = tpu.sem_alloc : memref<!tpu.dma_semaphore, #tpu.memory_space<semaphore_mem>>
      %dma_start3A_64 = arith.constant 0 : i32
      %dma_start3A_65 = tpu.memref_slice %arg9[%mul3A_2, %dma_start3A_64] : memref<10240x64xf32, #tpu.memory_space<vmem_shared>> -> memref<640x64xf32, #tpu.memory_space<vmem_shared>>
      tpu.enqueue_dma source(%arg4 : memref<640x64xf32, #tpu.memory_space<hbm>>) target(%dma_start3A_65 : memref<640x64xf32, #tpu.memory_space<vmem_shared>>) target_semaphore(%run_scoped3A_63 : memref<!tpu.dma_semaphore, #tpu.memory_space<semaphore_mem>>)
      %dma_wait3A_66 = arith.constant 0 : i32
      %dma_wait3A_67 = tpu.memref_slice %arg9[%mul3A_2, %dma_wait3A_66] : memref<10240x64xf32, #tpu.memory_space<vmem_shared>> -> memref<640x64xf32, #tpu.memory_space<vmem_shared>>
      tpu.wait_dma2 semaphore(%run_scoped3A_63 : memref<!tpu.dma_semaphore, #tpu.memory_space<semaphore_mem>>) src(%arg4 : memref<640x64xf32, #tpu.memory_space<hbm>>) dst(%dma_wait3A_67 : memref<640x64xf32, #tpu.memory_space<vmem_shared>>)
      tpu.yield
    }) : () -> ()
    %barrier3A = arith.constant 0 : index
    tpu.barrier barrier_id(%barrier3A)
    "tpu.region"() ({
      %run_scoped3A_63 = tpu.sem_alloc : memref<!tpu.dma_semaphore, #tpu.memory_space<semaphore_mem>>
      %dma_start3A_64 = arith.constant 0 : i32
      %dma_start3A_65 = arith.constant 0 : i32
      %dma_start3A_66 = tpu.memref_slice %arg3[%add3A, %dma_start3A_64, %dma_start3A_65] : memref<32x125x80xi32, #tpu.memory_space<hbm>> -> memref<1x125x80xi32, #tpu.memory_space<hbm>>
      %dma_start3A_67 = tpu.memref_squeeze %dma_start3A_66 : memref<1x125x80xi32, #tpu.memory_space<hbm>> -> memref<125x80xi32, #tpu.memory_space<hbm>>
      %dma_start3A_68 = arith.constant 0 : i32
      %dma_start3A_69 = arith.constant 0 : i32
      %dma_start3A_70 = tpu.memref_slice %arg3[%add3A, %dma_start3A_68, %dma_start3A_69] : memref<32x125x80xi32, #tpu.memory_space<hbm>> -> memref<1x125x80xi32, #tpu.memory_space<hbm>>
      %dma_start3A_71 = tpu.memref_squeeze %dma_start3A_70 : memref<1x125x80xi32, #tpu.memory_space<hbm>> -> memref<125x80xi32, #tpu.memory_space<hbm>>
      tpu.enqueue_dma source(%dma_start3A_71 : memref<125x80xi32, #tpu.memory_space<hbm>>) target(%arg6 : memref<125x80xi32, #tpu.memory_space<vmem>>) target_semaphore(%run_scoped3A_63 : memref<!tpu.dma_semaphore, #tpu.memory_space<semaphore_mem>>)
      %dma_wait3A_72 = arith.constant 0 : i32
      %dma_wait3A_73 = arith.constant 0 : i32
      %dma_wait3A_74 = tpu.memref_slice %arg3[%add3A, %dma_wait3A_72, %dma_wait3A_73] : memref<32x125x80xi32, #tpu.memory_space<hbm>> -> memref<1x125x80xi32, #tpu.memory_space<hbm>>
      %dma_wait3A_75 = tpu.memref_squeeze %dma_wait3A_74 : memref<1x125x80xi32, #tpu.memory_space<hbm>> -> memref<125x80xi32, #tpu.memory_space<hbm>>
      %dma_wait3A_76 = arith.constant 0 : i32
      %dma_wait3A_77 = arith.constant 0 : i32
      %dma_wait3A_78 = tpu.memref_slice %arg3[%add3A, %dma_wait3A_76, %dma_wait3A_77] : memref<32x125x80xi32, #tpu.memory_space<hbm>> -> memref<1x125x80xi32, #tpu.memory_space<hbm>>
      %dma_wait3A_79 = tpu.memref_squeeze %dma_wait3A_78 : memref<1x125x80xi32, #tpu.memory_space<hbm>> -> memref<125x80xi32, #tpu.memory_space<hbm>>
      tpu.wait_dma2 semaphore(%run_scoped3A_63 : memref<!tpu.dma_semaphore, #tpu.memory_space<semaphore_mem>>) src(%dma_wait3A_79 : memref<125x80xi32, #tpu.memory_space<hbm>>) dst(%arg6 : memref<125x80xi32, #tpu.memory_space<vmem>>)
      tpu.yield
    }) : () -> ()
    %scan3A = arith.constant 0 : i32
    %scan3A_3 = arith.constant 0 : i32
    %scan3A_4 = arith.constant 62 : i32
    %scan3A_5 = arith.addi %scan3A_3, %scan3A_4 : i32
    %scan3A_6 = arith.constant 1 : i32
    scf.for %scan3A_63 = %scan3A_3 to %scan3A_5 step %scan3A_6  : i32 {
      %mul3A_64 = arith.constant 2 : i32
      %mul3A_65 = arith.muli %mul3A_64, %scan3A_63 : i32
      %mul3A_66 = arith.constant 2 : i32
      %mul3A_67 = arith.muli %mul3A_66, %scan3A_63 : i32
      %add3A_68 = arith.constant 1 : i32
      %add3A_69 = arith.addi %mul3A_67, %add3A_68 : i32
      %gt3A = arith.constant 0 : i32
      %gt3A_70 = arith.cmpi sgt, %scan3A_63, %gt3A : i32
      %convert_element_type3A = arith.extui %gt3A_70 : i1 to i32
      %cond3A = arith.constant 0 : i32
      %cond3A_71 = arith.cmpi ne, %convert_element_type3A, %cond3A : i32
      scf.if %cond3A_71 {
        %sub3A = arith.constant 2 : i32
        %sub3A_156 = arith.subi %mul3A_65, %sub3A : i32
        %sub3A_157 = arith.constant 2 : i32
        %sub3A_158 = arith.subi %add3A_69, %sub3A_157 : i32
        %dma_wait3A_159 = arith.constant 0 : i32
        %dma_wait3A_160 = tpu.memref_slice %arg6[%sub3A_156, %dma_wait3A_159] : memref<125x80xi32, #tpu.memory_space<vmem>> -> memref<1x80xi32, #tpu.memory_space<vmem>>
        %dma_wait3A_161 = tpu.memref_squeeze %dma_wait3A_160 : memref<1x80xi32, #tpu.memory_space<vmem>> -> memref<80xi32, #tpu.memory_space<vmem>>
        %dma_wait3A_162 = arith.constant 0 : i32
        %dma_wait3A_163 = arith.constant 0 : i32
        %dma_wait3A_164 = tpu.memref_slice %arg9[%dma_wait3A_162, %dma_wait3A_163] : memref<10240x64xf32, #tpu.memory_space<vmem_shared>> -> memref<10240x64xf32, #tpu.memory_space<vmem_shared>>
        tpu.wait_indirect_dma semaphore(%arg12 : memref<!tpu.dma_semaphore, #tpu.memory_space<semaphore_mem>>) src(%arg7 : memref<80x64xf32, #tpu.memory_space<vmem>>) dst(%dma_wait3A_164 : memref<10240x64xf32, #tpu.memory_space<vmem_shared>>)
        %dma_wait3A_165 = arith.constant 0 : i32
        %dma_wait3A_166 = tpu.memref_slice %arg6[%sub3A_158, %dma_wait3A_165] : memref<125x80xi32, #tpu.memory_space<vmem>> -> memref<1x80xi32, #tpu.memory_space<vmem>>
        %dma_wait3A_167 = tpu.memref_squeeze %dma_wait3A_166 : memref<1x80xi32, #tpu.memory_space<vmem>> -> memref<80xi32, #tpu.memory_space<vmem>>
        %dma_wait3A_168 = arith.constant 0 : i32
        %dma_wait3A_169 = arith.constant 0 : i32
        %dma_wait3A_170 = tpu.memref_slice %arg9[%dma_wait3A_168, %dma_wait3A_169] : memref<10240x64xf32, #tpu.memory_space<vmem_shared>> -> memref<10240x64xf32, #tpu.memory_space<vmem_shared>>
        tpu.wait_indirect_dma semaphore(%arg13 : memref<!tpu.dma_semaphore, #tpu.memory_space<semaphore_mem>>) src(%arg8 : memref<80x64xf32, #tpu.memory_space<vmem>>) dst(%dma_wait3A_170 : memref<10240x64xf32, #tpu.memory_space<vmem_shared>>)
      } else {
      }
      %dma_start3A_72 = arith.constant 0 : i32
      %dma_start3A_73 = arith.constant 0 : i32
      %dma_start3A_74 = arith.constant 0 : i32
      %dma_start3A_75 = tpu.memref_slice %arg2[%add3A, %dma_start3A_72, %dma_start3A_73, %dma_start3A_74] : memref<32x125x80x64xf32, #tpu.memory_space<hbm>> -> memref<1x125x80x64xf32, #tpu.memory_space<hbm>>
      %dma_start3A_76 = tpu.memref_squeeze %dma_start3A_75 : memref<1x125x80x64xf32, #tpu.memory_space<hbm>> -> memref<125x80x64xf32, #tpu.memory_space<hbm>>
      %dma_start3A_77 = arith.constant 0 : i32
      %dma_start3A_78 = arith.constant 0 : i32
      %dma_start3A_79 = tpu.memref_slice %dma_start3A_76[%mul3A_65, %dma_start3A_77, %dma_start3A_78] : memref<125x80x64xf32, #tpu.memory_space<hbm>> -> memref<1x80x64xf32, #tpu.memory_space<hbm>>
      %dma_start3A_80 = tpu.memref_squeeze %dma_start3A_79 : memref<1x80x64xf32, #tpu.memory_space<hbm>> -> memref<80x64xf32, #tpu.memory_space<hbm>>
      %dma_start3A_81 = arith.constant 0 : i32
      %dma_start3A_82 = arith.constant 0 : i32
      %dma_start3A_83 = arith.constant 0 : i32
      %dma_start3A_84 = tpu.memref_slice %arg2[%add3A, %dma_start3A_81, %dma_start3A_82, %dma_start3A_83] : memref<32x125x80x64xf32, #tpu.memory_space<hbm>> -> memref<1x125x80x64xf32, #tpu.memory_space<hbm>>
      %dma_start3A_85 = tpu.memref_squeeze %dma_start3A_84 : memref<1x125x80x64xf32, #tpu.memory_space<hbm>> -> memref<125x80x64xf32, #tpu.memory_space<hbm>>
      %dma_start3A_86 = arith.constant 0 : i32
      %dma_start3A_87 = arith.constant 0 : i32
      %dma_start3A_88 = tpu.memref_slice %dma_start3A_85[%mul3A_65, %dma_start3A_86, %dma_start3A_87] : memref<125x80x64xf32, #tpu.memory_space<hbm>> -> memref<1x80x64xf32, #tpu.memory_space<hbm>>
      %dma_start3A_89 = tpu.memref_squeeze %dma_start3A_88 : memref<1x80x64xf32, #tpu.memory_space<hbm>> -> memref<80x64xf32, #tpu.memory_space<hbm>>
      tpu.enqueue_dma source(%dma_start3A_89 : memref<80x64xf32, #tpu.memory_space<hbm>>) target(%arg7 : memref<80x64xf32, #tpu.memory_space<vmem>>) target_semaphore(%arg10 : memref<!tpu.dma_semaphore, #tpu.memory_space<semaphore_mem>>)
      %dma_start3A_90 = arith.constant 0 : i32
      %dma_start3A_91 = arith.constant 0 : i32
      %dma_start3A_92 = arith.constant 0 : i32
      %dma_start3A_93 = tpu.memref_slice %arg2[%add3A, %dma_start3A_90, %dma_start3A_91, %dma_start3A_92] : memref<32x125x80x64xf32, #tpu.memory_space<hbm>> -> memref<1x125x80x64xf32, #tpu.memory_space<hbm>>
      %dma_start3A_94 = tpu.memref_squeeze %dma_start3A_93 : memref<1x125x80x64xf32, #tpu.memory_space<hbm>> -> memref<125x80x64xf32, #tpu.memory_space<hbm>>
      %dma_start3A_95 = arith.constant 0 : i32
      %dma_start3A_96 = arith.constant 0 : i32
      %dma_start3A_97 = tpu.memref_slice %dma_start3A_94[%add3A_69, %dma_start3A_95, %dma_start3A_96] : memref<125x80x64xf32, #tpu.memory_space<hbm>> -> memref<1x80x64xf32, #tpu.memory_space<hbm>>
      %dma_start3A_98 = tpu.memref_squeeze %dma_start3A_97 : memref<1x80x64xf32, #tpu.memory_space<hbm>> -> memref<80x64xf32, #tpu.memory_space<hbm>>
      %dma_start3A_99 = arith.constant 0 : i32
      %dma_start3A_100 = arith.constant 0 : i32
      %dma_start3A_101 = arith.constant 0 : i32
      %dma_start3A_102 = tpu.memref_slice %arg2[%add3A, %dma_start3A_99, %dma_start3A_100, %dma_start3A_101] : memref<32x125x80x64xf32, #tpu.memory_space<hbm>> -> memref<1x125x80x64xf32, #tpu.memory_space<hbm>>
      %dma_start3A_103 = tpu.memref_squeeze %dma_start3A_102 : memref<1x125x80x64xf32, #tpu.memory_space<hbm>> -> memref<125x80x64xf32, #tpu.memory_space<hbm>>
      %dma_start3A_104 = arith.constant 0 : i32
      %dma_start3A_105 = arith.constant 0 : i32
      %dma_start3A_106 = tpu.memref_slice %dma_start3A_103[%add3A_69, %dma_start3A_104, %dma_start3A_105] : memref<125x80x64xf32, #tpu.memory_space<hbm>> -> memref<1x80x64xf32, #tpu.memory_space<hbm>>
      %dma_start3A_107 = tpu.memref_squeeze %dma_start3A_106 : memref<1x80x64xf32, #tpu.memory_space<hbm>> -> memref<80x64xf32, #tpu.memory_space<hbm>>
      tpu.enqueue_dma source(%dma_start3A_107 : memref<80x64xf32, #tpu.memory_space<hbm>>) target(%arg8 : memref<80x64xf32, #tpu.memory_space<vmem>>) target_semaphore(%arg11 : memref<!tpu.dma_semaphore, #tpu.memory_space<semaphore_mem>>)
      %dma_wait3A_108 = arith.constant 0 : i32
      %dma_wait3A_109 = arith.constant 0 : i32
      %dma_wait3A_110 = arith.constant 0 : i32
      %dma_wait3A_111 = tpu.memref_slice %arg2[%add3A, %dma_wait3A_108, %dma_wait3A_109, %dma_wait3A_110] : memref<32x125x80x64xf32, #tpu.memory_space<hbm>> -> memref<1x125x80x64xf32, #tpu.memory_space<hbm>>
      %dma_wait3A_112 = tpu.memref_squeeze %dma_wait3A_111 : memref<1x125x80x64xf32, #tpu.memory_space<hbm>> -> memref<125x80x64xf32, #tpu.memory_space<hbm>>
      %dma_wait3A_113 = arith.constant 0 : i32
      %dma_wait3A_114 = arith.constant 0 : i32
      %dma_wait3A_115 = tpu.memref_slice %dma_wait3A_112[%mul3A_65, %dma_wait3A_113, %dma_wait3A_114] : memref<125x80x64xf32, #tpu.memory_space<hbm>> -> memref<1x80x64xf32, #tpu.memory_space<hbm>>
      %dma_wait3A_116 = tpu.memref_squeeze %dma_wait3A_115 : memref<1x80x64xf32, #tpu.memory_space<hbm>> -> memref<80x64xf32, #tpu.memory_space<hbm>>
      %dma_wait3A_117 = arith.constant 0 : i32
      %dma_wait3A_118 = arith.constant 0 : i32
      %dma_wait3A_119 = arith.constant 0 : i32
      %dma_wait3A_120 = tpu.memref_slice %arg2[%add3A, %dma_wait3A_117, %dma_wait3A_118, %dma_wait3A_119] : memref<32x125x80x64xf32, #tpu.memory_space<hbm>> -> memref<1x125x80x64xf32, #tpu.memory_space<hbm>>
      %dma_wait3A_121 = tpu.memref_squeeze %dma_wait3A_120 : memref<1x125x80x64xf32, #tpu.memory_space<hbm>> -> memref<125x80x64xf32, #tpu.memory_space<hbm>>
      %dma_wait3A_122 = arith.constant 0 : i32
      %dma_wait3A_123 = arith.constant 0 : i32
      %dma_wait3A_124 = tpu.memref_slice %dma_wait3A_121[%mul3A_65, %dma_wait3A_122, %dma_wait3A_123] : memref<125x80x64xf32, #tpu.memory_space<hbm>> -> memref<1x80x64xf32, #tpu.memory_space<hbm>>
      %dma_wait3A_125 = tpu.memref_squeeze %dma_wait3A_124 : memref<1x80x64xf32, #tpu.memory_space<hbm>> -> memref<80x64xf32, #tpu.memory_space<hbm>>
      tpu.wait_dma2 semaphore(%arg10 : memref<!tpu.dma_semaphore, #tpu.memory_space<semaphore_mem>>) src(%dma_wait3A_125 : memref<80x64xf32, #tpu.memory_space<hbm>>) dst(%arg7 : memref<80x64xf32, #tpu.memory_space<vmem>>)
      %dma_start3A_126 = arith.constant 0 : i32
      %dma_start3A_127 = tpu.memref_slice %arg6[%mul3A_65, %dma_start3A_126] : memref<125x80xi32, #tpu.memory_space<vmem>> -> memref<1x80xi32, #tpu.memory_space<vmem>>
      %dma_start3A_128 = tpu.memref_squeeze %dma_start3A_127 : memref<1x80xi32, #tpu.memory_space<vmem>> -> memref<80xi32, #tpu.memory_space<vmem>>
      %dma_start3A_129 = arith.constant 0 : i32
      %dma_start3A_130 = arith.constant 0 : i32
      %dma_start3A_131 = tpu.memref_slice %arg9[%dma_start3A_129, %dma_start3A_130] : memref<10240x64xf32, #tpu.memory_space<vmem_shared>> -> memref<10240x64xf32, #tpu.memory_space<vmem_shared>>
      tpu.enqueue_indirect_dma source(%arg7 : memref<80x64xf32, #tpu.memory_space<vmem>>) target(%dma_start3A_131 : memref<10240x64xf32, #tpu.memory_space<vmem_shared>>) offsets(%dma_start3A_128 : memref<80xi32, #tpu.memory_space<vmem>>) semaphore(%arg12 : memref<!tpu.dma_semaphore, #tpu.memory_space<semaphore_mem>>) {add = true}
      %dma_wait3A_132 = arith.constant 0 : i32
      %dma_wait3A_133 = arith.constant 0 : i32
      %dma_wait3A_134 = arith.constant 0 : i32
      %dma_wait3A_135 = tpu.memref_slice %arg2[%add3A, %dma_wait3A_132, %dma_wait3A_133, %dma_wait3A_134] : memref<32x125x80x64xf32, #tpu.memory_space<hbm>> -> memref<1x125x80x64xf32, #tpu.memory_space<hbm>>
      %dma_wait3A_136 = tpu.memref_squeeze %dma_wait3A_135 : memref<1x125x80x64xf32, #tpu.memory_space<hbm>> -> memref<125x80x64xf32, #tpu.memory_space<hbm>>
      %dma_wait3A_137 = arith.constant 0 : i32
      %dma_wait3A_138 = arith.constant 0 : i32
      %dma_wait3A_139 = tpu.memref_slice %dma_wait3A_136[%add3A_69, %dma_wait3A_137, %dma_wait3A_138] : memref<125x80x64xf32, #tpu.memory_space<hbm>> -> memref<1x80x64xf32, #tpu.memory_space<hbm>>
      %dma_wait3A_140 = tpu.memref_squeeze %dma_wait3A_139 : memref<1x80x64xf32, #tpu.memory_space<hbm>> -> memref<80x64xf32, #tpu.memory_space<hbm>>
      %dma_wait3A_141 = arith.constant 0 : i32
      %dma_wait3A_142 = arith.constant 0 : i32
      %dma_wait3A_143 = arith.constant 0 : i32
      %dma_wait3A_144 = tpu.memref_slice %arg2[%add3A, %dma_wait3A_141, %dma_wait3A_142, %dma_wait3A_143] : memref<32x125x80x64xf32, #tpu.memory_space<hbm>> -> memref<1x125x80x64xf32, #tpu.memory_space<hbm>>
      %dma_wait3A_145 = tpu.memref_squeeze %dma_wait3A_144 : memref<1x125x80x64xf32, #tpu.memory_space<hbm>> -> memref<125x80x64xf32, #tpu.memory_space<hbm>>
      %dma_wait3A_146 = arith.constant 0 : i32
      %dma_wait3A_147 = arith.constant 0 : i32
      %dma_wait3A_148 = tpu.memref_slice %dma_wait3A_145[%add3A_69, %dma_wait3A_146, %dma_wait3A_147] : memref<125x80x64xf32, #tpu.memory_space<hbm>> -> memref<1x80x64xf32, #tpu.memory_space<hbm>>
      %dma_wait3A_149 = tpu.memref_squeeze %dma_wait3A_148 : memref<1x80x64xf32, #tpu.memory_space<hbm>> -> memref<80x64xf32, #tpu.memory_space<hbm>>
      tpu.wait_dma2 semaphore(%arg11 : memref<!tpu.dma_semaphore, #tpu.memory_space<semaphore_mem>>) src(%dma_wait3A_149 : memref<80x64xf32, #tpu.memory_space<hbm>>) dst(%arg8 : memref<80x64xf32, #tpu.memory_space<vmem>>)
      %dma_start3A_150 = arith.constant 0 : i32
      %dma_start3A_151 = tpu.memref_slice %arg6[%add3A_69, %dma_start3A_150] : memref<125x80xi32, #tpu.memory_space<vmem>> -> memref<1x80xi32, #tpu.memory_space<vmem>>
      %dma_start3A_152 = tpu.memref_squeeze %dma_start3A_151 : memref<1x80xi32, #tpu.memory_space<vmem>> -> memref<80xi32, #tpu.memory_space<vmem>>
      %dma_start3A_153 = arith.constant 0 : i32
      %dma_start3A_154 = arith.constant 0 : i32
      %dma_start3A_155 = tpu.memref_slice %arg9[%dma_start3A_153, %dma_start3A_154] : memref<10240x64xf32, #tpu.memory_space<vmem_shared>> -> memref<10240x64xf32, #tpu.memory_space<vmem_shared>>
      tpu.enqueue_indirect_dma source(%arg8 : memref<80x64xf32, #tpu.memory_space<vmem>>) target(%dma_start3A_155 : memref<10240x64xf32, #tpu.memory_space<vmem_shared>>) offsets(%dma_start3A_152 : memref<80xi32, #tpu.memory_space<vmem>>) semaphore(%arg13 : memref<!tpu.dma_semaphore, #tpu.memory_space<semaphore_mem>>) {add = true}
    }
    %scan3A_7 = arith.constant 62 : i32
    %dma_wait3A = arith.constant 122 : i32
    %dma_wait3A_8 = arith.constant 0 : i32
    %dma_wait3A_9 = tpu.memref_slice %arg6[%dma_wait3A, %dma_wait3A_8] : memref<125x80xi32, #tpu.memory_space<vmem>> -> memref<1x80xi32, #tpu.memory_space<vmem>>
    %dma_wait3A_10 = tpu.memref_squeeze %dma_wait3A_9 : memref<1x80xi32, #tpu.memory_space<vmem>> -> memref<80xi32, #tpu.memory_space<vmem>>
    %dma_wait3A_11 = arith.constant 0 : i32
    %dma_wait3A_12 = arith.constant 0 : i32
    %dma_wait3A_13 = tpu.memref_slice %arg9[%dma_wait3A_11, %dma_wait3A_12] : memref<10240x64xf32, #tpu.memory_space<vmem_shared>> -> memref<10240x64xf32, #tpu.memory_space<vmem_shared>>
    tpu.wait_indirect_dma semaphore(%arg12 : memref<!tpu.dma_semaphore, #tpu.memory_space<semaphore_mem>>) src(%arg7 : memref<80x64xf32, #tpu.memory_space<vmem>>) dst(%dma_wait3A_13 : memref<10240x64xf32, #tpu.memory_space<vmem_shared>>)
    %dma_wait3A_14 = arith.constant 123 : i32
    %dma_wait3A_15 = arith.constant 0 : i32
    %dma_wait3A_16 = tpu.memref_slice %arg6[%dma_wait3A_14, %dma_wait3A_15] : memref<125x80xi32, #tpu.memory_space<vmem>> -> memref<1x80xi32, #tpu.memory_space<vmem>>
    %dma_wait3A_17 = tpu.memref_squeeze %dma_wait3A_16 : memref<1x80xi32, #tpu.memory_space<vmem>> -> memref<80xi32, #tpu.memory_space<vmem>>
    %dma_wait3A_18 = arith.constant 0 : i32
    %dma_wait3A_19 = arith.constant 0 : i32
    %dma_wait3A_20 = tpu.memref_slice %arg9[%dma_wait3A_18, %dma_wait3A_19] : memref<10240x64xf32, #tpu.memory_space<vmem_shared>> -> memref<10240x64xf32, #tpu.memory_space<vmem_shared>>
    tpu.wait_indirect_dma semaphore(%arg13 : memref<!tpu.dma_semaphore, #tpu.memory_space<semaphore_mem>>) src(%arg8 : memref<80x64xf32, #tpu.memory_space<vmem>>) dst(%dma_wait3A_20 : memref<10240x64xf32, #tpu.memory_space<vmem_shared>>)
    %dma_start3A = arith.constant 124 : i32
    %dma_start3A_21 = arith.constant 0 : i32
    %dma_start3A_22 = arith.constant 0 : i32
    %dma_start3A_23 = arith.constant 0 : i32
    %dma_start3A_24 = tpu.memref_slice %arg2[%add3A, %dma_start3A_21, %dma_start3A_22, %dma_start3A_23] : memref<32x125x80x64xf32, #tpu.memory_space<hbm>> -> memref<1x125x80x64xf32, #tpu.memory_space<hbm>>
    %dma_start3A_25 = tpu.memref_squeeze %dma_start3A_24 : memref<1x125x80x64xf32, #tpu.memory_space<hbm>> -> memref<125x80x64xf32, #tpu.memory_space<hbm>>
    %dma_start3A_26 = arith.constant 0 : i32
    %dma_start3A_27 = arith.constant 0 : i32
    %dma_start3A_28 = tpu.memref_slice %dma_start3A_25[%dma_start3A, %dma_start3A_26, %dma_start3A_27] : memref<125x80x64xf32, #tpu.memory_space<hbm>> -> memref<1x80x64xf32, #tpu.memory_space<hbm>>
    %dma_start3A_29 = tpu.memref_squeeze %dma_start3A_28 : memref<1x80x64xf32, #tpu.memory_space<hbm>> -> memref<80x64xf32, #tpu.memory_space<hbm>>
    %dma_start3A_30 = arith.constant 0 : i32
    %dma_start3A_31 = arith.constant 0 : i32
    %dma_start3A_32 = arith.constant 0 : i32
    %dma_start3A_33 = tpu.memref_slice %arg2[%add3A, %dma_start3A_30, %dma_start3A_31, %dma_start3A_32] : memref<32x125x80x64xf32, #tpu.memory_space<hbm>> -> memref<1x125x80x64xf32, #tpu.memory_space<hbm>>
    %dma_start3A_34 = tpu.memref_squeeze %dma_start3A_33 : memref<1x125x80x64xf32, #tpu.memory_space<hbm>> -> memref<125x80x64xf32, #tpu.memory_space<hbm>>
    %dma_start3A_35 = arith.constant 0 : i32
    %dma_start3A_36 = arith.constant 0 : i32
    %dma_start3A_37 = tpu.memref_slice %dma_start3A_34[%dma_start3A, %dma_start3A_35, %dma_start3A_36] : memref<125x80x64xf32, #tpu.memory_space<hbm>> -> memref<1x80x64xf32, #tpu.memory_space<hbm>>
    %dma_start3A_38 = tpu.memref_squeeze %dma_start3A_37 : memref<1x80x64xf32, #tpu.memory_space<hbm>> -> memref<80x64xf32, #tpu.memory_space<hbm>>
    tpu.enqueue_dma source(%dma_start3A_38 : memref<80x64xf32, #tpu.memory_space<hbm>>) target(%arg7 : memref<80x64xf32, #tpu.memory_space<vmem>>) target_semaphore(%arg10 : memref<!tpu.dma_semaphore, #tpu.memory_space<semaphore_mem>>)
    %dma_wait3A_39 = arith.constant 124 : i32
    %dma_wait3A_40 = arith.constant 0 : i32
    %dma_wait3A_41 = arith.constant 0 : i32
    %dma_wait3A_42 = arith.constant 0 : i32
    %dma_wait3A_43 = tpu.memref_slice %arg2[%add3A, %dma_wait3A_40, %dma_wait3A_41, %dma_wait3A_42] : memref<32x125x80x64xf32, #tpu.memory_space<hbm>> -> memref<1x125x80x64xf32, #tpu.memory_space<hbm>>
    %dma_wait3A_44 = tpu.memref_squeeze %dma_wait3A_43 : memref<1x125x80x64xf32, #tpu.memory_space<hbm>> -> memref<125x80x64xf32, #tpu.memory_space<hbm>>
    %dma_wait3A_45 = arith.constant 0 : i32
    %dma_wait3A_46 = arith.constant 0 : i32
    %dma_wait3A_47 = tpu.memref_slice %dma_wait3A_44[%dma_wait3A_39, %dma_wait3A_45, %dma_wait3A_46] : memref<125x80x64xf32, #tpu.memory_space<hbm>> -> memref<1x80x64xf32, #tpu.memory_space<hbm>>
    %dma_wait3A_48 = tpu.memref_squeeze %dma_wait3A_47 : memref<1x80x64xf32, #tpu.memory_space<hbm>> -> memref<80x64xf32, #tpu.memory_space<hbm>>
    %dma_wait3A_49 = arith.constant 0 : i32
    %dma_wait3A_50 = arith.constant 0 : i32
    %dma_wait3A_51 = arith.constant 0 : i32
    %dma_wait3A_52 = tpu.memref_slice %arg2[%add3A, %dma_wait3A_49, %dma_wait3A_50, %dma_wait3A_51] : memref<32x125x80x64xf32, #tpu.memory_space<hbm>> -> memref<1x125x80x64xf32, #tpu.memory_space<hbm>>
    %dma_wait3A_53 = tpu.memref_squeeze %dma_wait3A_52 : memref<1x125x80x64xf32, #tpu.memory_space<hbm>> -> memref<125x80x64xf32, #tpu.memory_space<hbm>>
    %dma_wait3A_54 = arith.constant 0 : i32
    %dma_wait3A_55 = arith.constant 0 : i32
    %dma_wait3A_56 = tpu.memref_slice %dma_wait3A_53[%dma_wait3A_39, %dma_wait3A_54, %dma_wait3A_55] : memref<125x80x64xf32, #tpu.memory_space<hbm>> -> memref<1x80x64xf32, #tpu.memory_space<hbm>>
    %dma_wait3A_57 = tpu.memref_squeeze %dma_wait3A_56 : memref<1x80x64xf32, #tpu.memory_space<hbm>> -> memref<80x64xf32, #tpu.memory_space<hbm>>
    tpu.wait_dma2 semaphore(%arg10 : memref<!tpu.dma_semaphore, #tpu.memory_space<semaphore_mem>>) src(%dma_wait3A_57 : memref<80x64xf32, #tpu.memory_space<hbm>>) dst(%arg7 : memref<80x64xf32, #tpu.memory_space<vmem>>)
    %run_scoped3A = arith.constant 124 : i32
    "tpu.region"() ({
      %run_scoped3A_63 = tpu.sem_alloc : memref<!tpu.dma_semaphore, #tpu.memory_space<semaphore_mem>>
      %dma_start3A_64 = arith.constant 0 : i32
      %dma_start3A_65 = tpu.memref_slice %arg6[%run_scoped3A, %dma_start3A_64] : memref<125x80xi32, #tpu.memory_space<vmem>> -> memref<1x80xi32, #tpu.memory_space<vmem>>
      %dma_start3A_66 = tpu.memref_squeeze %dma_start3A_65 : memref<1x80xi32, #tpu.memory_space<vmem>> -> memref<80xi32, #tpu.memory_space<vmem>>
      %dma_start3A_67 = arith.constant 0 : i32
      %dma_start3A_68 = arith.constant 0 : i32
      %dma_start3A_69 = tpu.memref_slice %arg9[%dma_start3A_67, %dma_start3A_68] : memref<10240x64xf32, #tpu.memory_space<vmem_shared>> -> memref<10240x64xf32, #tpu.memory_space<vmem_shared>>
      tpu.enqueue_indirect_dma source(%arg7 : memref<80x64xf32, #tpu.memory_space<vmem>>) target(%dma_start3A_69 : memref<10240x64xf32, #tpu.memory_space<vmem_shared>>) offsets(%dma_start3A_66 : memref<80xi32, #tpu.memory_space<vmem>>) semaphore(%run_scoped3A_63 : memref<!tpu.dma_semaphore, #tpu.memory_space<semaphore_mem>>) {add = true}
      %dma_wait3A_70 = arith.constant 0 : i32
      %dma_wait3A_71 = tpu.memref_slice %arg6[%run_scoped3A, %dma_wait3A_70] : memref<125x80xi32, #tpu.memory_space<vmem>> -> memref<1x80xi32, #tpu.memory_space<vmem>>
      %dma_wait3A_72 = tpu.memref_squeeze %dma_wait3A_71 : memref<1x80xi32, #tpu.memory_space<vmem>> -> memref<80xi32, #tpu.memory_space<vmem>>
      %dma_wait3A_73 = arith.constant 0 : i32
      %dma_wait3A_74 = arith.constant 0 : i32
      %dma_wait3A_75 = tpu.memref_slice %arg9[%dma_wait3A_73, %dma_wait3A_74] : memref<10240x64xf32, #tpu.memory_space<vmem_shared>> -> memref<10240x64xf32, #tpu.memory_space<vmem_shared>>
      tpu.wait_indirect_dma semaphore(%run_scoped3A_63 : memref<!tpu.dma_semaphore, #tpu.memory_space<semaphore_mem>>) src(%arg7 : memref<80x64xf32, #tpu.memory_space<vmem>>) dst(%dma_wait3A_75 : memref<10240x64xf32, #tpu.memory_space<vmem_shared>>)
      tpu.yield
    }) : () -> ()
    %barrier3A_58 = arith.constant 0 : index
    tpu.barrier barrier_id(%barrier3A_58)
    %mul3A_59 = arith.constant 640 : i32
    %mul3A_60 = arith.muli %arg1, %mul3A_59 : i32
    %mul3A_61 = arith.constant 640 : i32
    %mul3A_62 = arith.muli %arg1, %mul3A_61 : i32
    "tpu.region"() ({
      %run_scoped3A_63 = tpu.sem_alloc : memref<!tpu.dma_semaphore, #tpu.memory_space<semaphore_mem>>
      %dma_start3A_64 = arith.constant 0 : i32
      %dma_start3A_65 = arith.constant 0 : i32
      %dma_start3A_66 = tpu.memref_slice %arg5[%arg0, %dma_start3A_64, %dma_start3A_65] : memref<2x10240x64xf32, #tpu.memory_space<hbm>> -> memref<1x10240x64xf32, #tpu.memory_space<hbm>>
      %dma_start3A_67 = tpu.memref_squeeze %dma_start3A_66 : memref<1x10240x64xf32, #tpu.memory_space<hbm>> -> memref<10240x64xf32, #tpu.memory_space<hbm>>
      %dma_start3A_68 = arith.constant 0 : i32
      %dma_start3A_69 = tpu.memref_slice %dma_start3A_67[%mul3A_62, %dma_start3A_68] : memref<10240x64xf32, #tpu.memory_space<hbm>> -> memref<640x64xf32, #tpu.memory_space<hbm>>
      %dma_start3A_70 = arith.constant 0 : i32
      %dma_start3A_71 = tpu.memref_slice %arg9[%mul3A_60, %dma_start3A_70] : memref<10240x64xf32, #tpu.memory_space<vmem_shared>> -> memref<640x64xf32, #tpu.memory_space<vmem_shared>>
      tpu.enqueue_dma source(%dma_start3A_71 : memref<640x64xf32, #tpu.memory_space<vmem_shared>>) target(%dma_start3A_69 : memref<640x64xf32, #tpu.memory_space<hbm>>) target_semaphore(%run_scoped3A_63 : memref<!tpu.dma_semaphore, #tpu.memory_space<semaphore_mem>>)
      %dma_wait3A_72 = arith.constant 0 : i32
      %dma_wait3A_73 = arith.constant 0 : i32
      %dma_wait3A_74 = tpu.memref_slice %arg5[%arg0, %dma_wait3A_72, %dma_wait3A_73] : memref<2x10240x64xf32, #tpu.memory_space<hbm>> -> memref<1x10240x64xf32, #tpu.memory_space<hbm>>
      %dma_wait3A_75 = tpu.memref_squeeze %dma_wait3A_74 : memref<1x10240x64xf32, #tpu.memory_space<hbm>> -> memref<10240x64xf32, #tpu.memory_space<hbm>>
      %dma_wait3A_76 = arith.constant 0 : i32
      %dma_wait3A_77 = tpu.memref_slice %dma_wait3A_75[%mul3A_62, %dma_wait3A_76] : memref<10240x64xf32, #tpu.memory_space<hbm>> -> memref<640x64xf32, #tpu.memory_space<hbm>>
      %dma_wait3A_78 = arith.constant 0 : i32
      %dma_wait3A_79 = tpu.memref_slice %arg9[%mul3A_60, %dma_wait3A_78] : memref<10240x64xf32, #tpu.memory_space<vmem_shared>> -> memref<640x64xf32, #tpu.memory_space<vmem_shared>>
      tpu.wait_dma2 semaphore(%run_scoped3A_63 : memref<!tpu.dma_semaphore, #tpu.memory_space<semaphore_mem>>) src(%dma_wait3A_79 : memref<640x64xf32, #tpu.memory_space<vmem_shared>>) dst(%dma_wait3A_77 : memref<640x64xf32, #tpu.memory_space<hbm>>)
      tpu.yield
    }) : () -> ()
    return
  }
}

#map = affine_map<(d0, d1) -> (0, 0)>
#map1 = affine_map<(d0, d1) -> (0, 0, 0)>
module attributes {stable_mosaic.version = 14 : i64} {
  func.func @_sc_gather_scatter(%arg0: i32, %arg1: i32, %arg2: memref<10000x64xf32, #tpu.memory_space<hbm>>, %arg3: memref<32x10000xi32, #tpu.memory_space<hbm>>, %arg4: memref<32x125x80xi32, #tpu.memory_space<hbm>>, %arg5: memref<640x64xf32, #tpu.memory_space<hbm>>, %arg6: memref<2x10240x64xf32, #tpu.memory_space<hbm>>, %arg7: memref<10000xi32, #tpu.memory_space<vmem>>, %arg8: memref<125x80xi32, #tpu.memory_space<vmem>>, %arg9: memref<80x64xf32, #tpu.memory_space<vmem>>, %arg10: memref<80x64xf32, #tpu.memory_space<vmem>>, %arg11: memref<10240x64xf32, #tpu.memory_space<vmem_shared>>, %arg12: memref<!tpu.dma_semaphore, #tpu.memory_space<semaphore_mem>>, %arg13: memref<!tpu.dma_semaphore, #tpu.memory_space<semaphore_mem>>, %arg14: memref<!tpu.dma_semaphore, #tpu.memory_space<semaphore_mem>>, %arg15: memref<!tpu.dma_semaphore, #tpu.memory_space<semaphore_mem>>) attributes {dimension_semantics = [#tpu.dimension_semantics<core_parallel>, #tpu.dimension_semantics<subcore_parallel>], iteration_bounds = array<i64: 2, 16>, scalar_prefetch = 0 : i64, scratch_operands = 9 : i64, tpu.core_type = #tpu.core_type<sc_vector_subcore>, window_params = [{transform_indices = #map}, {transform_indices = #map}, {transform_indices = #map1}, {transform_indices = #map}, {transform_indices = #map1}]} {
    %mul3A = arith.constant 2 : i32
    %mul3A_0 = arith.muli %arg1, %mul3A : i32
    %add3A = arith.addi %mul3A_0, %arg0 : i32
    %mul3A_1 = arith.constant 640 : i32
    %mul3A_2 = arith.muli %arg1, %mul3A_1 : i32
    "tpu.region"() ({
      %run_scoped3A_34 = tpu.sem_alloc : memref<!tpu.dma_semaphore, #tpu.memory_space<semaphore_mem>>
      %dma_start3A_35 = arith.constant 0 : i32
      %dma_start3A_36 = tpu.memref_slice %arg11[%mul3A_2, %dma_start3A_35] : memref<10240x64xf32, #tpu.memory_space<vmem_shared>> -> memref<640x64xf32, #tpu.memory_space<vmem_shared>>
      tpu.enqueue_dma source(%arg5 : memref<640x64xf32, #tpu.memory_space<hbm>>) target(%dma_start3A_36 : memref<640x64xf32, #tpu.memory_space<vmem_shared>>) target_semaphore(%run_scoped3A_34 : memref<!tpu.dma_semaphore, #tpu.memory_space<semaphore_mem>>)
      %dma_wait3A_37 = arith.constant 0 : i32
      %dma_wait3A_38 = tpu.memref_slice %arg11[%mul3A_2, %dma_wait3A_37] : memref<10240x64xf32, #tpu.memory_space<vmem_shared>> -> memref<640x64xf32, #tpu.memory_space<vmem_shared>>
      tpu.wait_dma2 semaphore(%run_scoped3A_34 : memref<!tpu.dma_semaphore, #tpu.memory_space<semaphore_mem>>) src(%arg5 : memref<640x64xf32, #tpu.memory_space<hbm>>) dst(%dma_wait3A_38 : memref<640x64xf32, #tpu.memory_space<vmem_shared>>)
      tpu.yield
    }) : () -> ()
    %barrier3A = arith.constant 0 : index
    tpu.barrier barrier_id(%barrier3A)
    "tpu.region"() ({
      %run_scoped3A_34 = tpu.sem_alloc : memref<!tpu.dma_semaphore, #tpu.memory_space<semaphore_mem>>
      %dma_start3A_35 = arith.constant 0 : i32
      %dma_start3A_36 = tpu.memref_slice %arg3[%add3A, %dma_start3A_35] : memref<32x10000xi32, #tpu.memory_space<hbm>> -> memref<1x10000xi32, #tpu.memory_space<hbm>>
      %dma_start3A_37 = tpu.memref_squeeze %dma_start3A_36 : memref<1x10000xi32, #tpu.memory_space<hbm>> -> memref<10000xi32, #tpu.memory_space<hbm>>
      %dma_start3A_38 = arith.constant 0 : i32
      %dma_start3A_39 = tpu.memref_slice %arg3[%add3A, %dma_start3A_38] : memref<32x10000xi32, #tpu.memory_space<hbm>> -> memref<1x10000xi32, #tpu.memory_space<hbm>>
      %dma_start3A_40 = tpu.memref_squeeze %dma_start3A_39 : memref<1x10000xi32, #tpu.memory_space<hbm>> -> memref<10000xi32, #tpu.memory_space<hbm>>
      tpu.enqueue_dma source(%dma_start3A_40 : memref<10000xi32, #tpu.memory_space<hbm>>) target(%arg7 : memref<10000xi32, #tpu.memory_space<vmem>>) target_semaphore(%run_scoped3A_34 : memref<!tpu.dma_semaphore, #tpu.memory_space<semaphore_mem>>)
      %dma_wait3A_41 = arith.constant 0 : i32
      %dma_wait3A_42 = tpu.memref_slice %arg3[%add3A, %dma_wait3A_41] : memref<32x10000xi32, #tpu.memory_space<hbm>> -> memref<1x10000xi32, #tpu.memory_space<hbm>>
      %dma_wait3A_43 = tpu.memref_squeeze %dma_wait3A_42 : memref<1x10000xi32, #tpu.memory_space<hbm>> -> memref<10000xi32, #tpu.memory_space<hbm>>
      %dma_wait3A_44 = arith.constant 0 : i32
      %dma_wait3A_45 = tpu.memref_slice %arg3[%add3A, %dma_wait3A_44] : memref<32x10000xi32, #tpu.memory_space<hbm>> -> memref<1x10000xi32, #tpu.memory_space<hbm>>
      %dma_wait3A_46 = tpu.memref_squeeze %dma_wait3A_45 : memref<1x10000xi32, #tpu.memory_space<hbm>> -> memref<10000xi32, #tpu.memory_space<hbm>>
      tpu.wait_dma2 semaphore(%run_scoped3A_34 : memref<!tpu.dma_semaphore, #tpu.memory_space<semaphore_mem>>) src(%dma_wait3A_46 : memref<10000xi32, #tpu.memory_space<hbm>>) dst(%arg7 : memref<10000xi32, #tpu.memory_space<vmem>>)
      tpu.yield
    }) : () -> ()
    "tpu.region"() ({
      %run_scoped3A_34 = tpu.sem_alloc : memref<!tpu.dma_semaphore, #tpu.memory_space<semaphore_mem>>
      %dma_start3A_35 = arith.constant 0 : i32
      %dma_start3A_36 = arith.constant 0 : i32
      %dma_start3A_37 = tpu.memref_slice %arg4[%add3A, %dma_start3A_35, %dma_start3A_36] : memref<32x125x80xi32, #tpu.memory_space<hbm>> -> memref<1x125x80xi32, #tpu.memory_space<hbm>>
      %dma_start3A_38 = tpu.memref_squeeze %dma_start3A_37 : memref<1x125x80xi32, #tpu.memory_space<hbm>> -> memref<125x80xi32, #tpu.memory_space<hbm>>
      %dma_start3A_39 = arith.constant 0 : i32
      %dma_start3A_40 = arith.constant 0 : i32
      %dma_start3A_41 = tpu.memref_slice %arg4[%add3A, %dma_start3A_39, %dma_start3A_40] : memref<32x125x80xi32, #tpu.memory_space<hbm>> -> memref<1x125x80xi32, #tpu.memory_space<hbm>>
      %dma_start3A_42 = tpu.memref_squeeze %dma_start3A_41 : memref<1x125x80xi32, #tpu.memory_space<hbm>> -> memref<125x80xi32, #tpu.memory_space<hbm>>
      tpu.enqueue_dma source(%dma_start3A_42 : memref<125x80xi32, #tpu.memory_space<hbm>>) target(%arg8 : memref<125x80xi32, #tpu.memory_space<vmem>>) target_semaphore(%run_scoped3A_34 : memref<!tpu.dma_semaphore, #tpu.memory_space<semaphore_mem>>)
      %dma_wait3A_43 = arith.constant 0 : i32
      %dma_wait3A_44 = arith.constant 0 : i32
      %dma_wait3A_45 = tpu.memref_slice %arg4[%add3A, %dma_wait3A_43, %dma_wait3A_44] : memref<32x125x80xi32, #tpu.memory_space<hbm>> -> memref<1x125x80xi32, #tpu.memory_space<hbm>>
      %dma_wait3A_46 = tpu.memref_squeeze %dma_wait3A_45 : memref<1x125x80xi32, #tpu.memory_space<hbm>> -> memref<125x80xi32, #tpu.memory_space<hbm>>
      %dma_wait3A_47 = arith.constant 0 : i32
      %dma_wait3A_48 = arith.constant 0 : i32
      %dma_wait3A_49 = tpu.memref_slice %arg4[%add3A, %dma_wait3A_47, %dma_wait3A_48] : memref<32x125x80xi32, #tpu.memory_space<hbm>> -> memref<1x125x80xi32, #tpu.memory_space<hbm>>
      %dma_wait3A_50 = tpu.memref_squeeze %dma_wait3A_49 : memref<1x125x80xi32, #tpu.memory_space<hbm>> -> memref<125x80xi32, #tpu.memory_space<hbm>>
      tpu.wait_dma2 semaphore(%run_scoped3A_34 : memref<!tpu.dma_semaphore, #tpu.memory_space<semaphore_mem>>) src(%dma_wait3A_50 : memref<125x80xi32, #tpu.memory_space<hbm>>) dst(%arg8 : memref<125x80xi32, #tpu.memory_space<vmem>>)
      tpu.yield
    }) : () -> ()
    %scan3A = arith.constant 0 : i32
    %scan3A_3 = arith.constant 0 : i32
    %scan3A_4 = arith.constant 62 : i32
    %scan3A_5 = arith.addi %scan3A_3, %scan3A_4 : i32
    %scan3A_6 = arith.constant 1 : i32
    scf.for %scan3A_34 = %scan3A_3 to %scan3A_5 step %scan3A_6  : i32 {
      %mul3A_35 = arith.constant 2 : i32
      %mul3A_36 = arith.muli %mul3A_35, %scan3A_34 : i32
      %mul3A_37 = arith.constant 2 : i32
      %mul3A_38 = arith.muli %mul3A_37, %scan3A_34 : i32
      %add3A_39 = arith.constant 1 : i32
      %add3A_40 = arith.addi %mul3A_38, %add3A_39 : i32
      %gt3A = arith.constant 0 : i32
      %gt3A_41 = arith.cmpi sgt, %scan3A_34, %gt3A : i32
      %convert_element_type3A = arith.extui %gt3A_41 : i1 to i32
      %cond3A = arith.constant 0 : i32
      %cond3A_42 = arith.cmpi ne, %convert_element_type3A, %cond3A : i32
      scf.if %cond3A_42 {
        %sub3A = arith.constant 2 : i32
        %sub3A_77 = arith.subi %mul3A_36, %sub3A : i32
        %sub3A_78 = arith.constant 2 : i32
        %sub3A_79 = arith.subi %add3A_40, %sub3A_78 : i32
        %dma_wait3A_80 = arith.constant 0 : i32
        %dma_wait3A_81 = tpu.memref_slice %arg8[%sub3A_77, %dma_wait3A_80] : memref<125x80xi32, #tpu.memory_space<vmem>> -> memref<1x80xi32, #tpu.memory_space<vmem>>
        %dma_wait3A_82 = tpu.memref_squeeze %dma_wait3A_81 : memref<1x80xi32, #tpu.memory_space<vmem>> -> memref<80xi32, #tpu.memory_space<vmem>>
        %dma_wait3A_83 = arith.constant 0 : i32
        %dma_wait3A_84 = arith.constant 0 : i32
        %dma_wait3A_85 = tpu.memref_slice %arg11[%dma_wait3A_83, %dma_wait3A_84] : memref<10240x64xf32, #tpu.memory_space<vmem_shared>> -> memref<10240x64xf32, #tpu.memory_space<vmem_shared>>
        tpu.wait_indirect_dma semaphore(%arg14 : memref<!tpu.dma_semaphore, #tpu.memory_space<semaphore_mem>>) src(%arg9 : memref<80x64xf32, #tpu.memory_space<vmem>>) dst(%dma_wait3A_85 : memref<10240x64xf32, #tpu.memory_space<vmem_shared>>)
        %dma_wait3A_86 = arith.constant 0 : i32
        %dma_wait3A_87 = tpu.memref_slice %arg8[%sub3A_79, %dma_wait3A_86] : memref<125x80xi32, #tpu.memory_space<vmem>> -> memref<1x80xi32, #tpu.memory_space<vmem>>
        %dma_wait3A_88 = tpu.memref_squeeze %dma_wait3A_87 : memref<1x80xi32, #tpu.memory_space<vmem>> -> memref<80xi32, #tpu.memory_space<vmem>>
        %dma_wait3A_89 = arith.constant 0 : i32
        %dma_wait3A_90 = arith.constant 0 : i32
        %dma_wait3A_91 = tpu.memref_slice %arg11[%dma_wait3A_89, %dma_wait3A_90] : memref<10240x64xf32, #tpu.memory_space<vmem_shared>> -> memref<10240x64xf32, #tpu.memory_space<vmem_shared>>
        tpu.wait_indirect_dma semaphore(%arg15 : memref<!tpu.dma_semaphore, #tpu.memory_space<semaphore_mem>>) src(%arg10 : memref<80x64xf32, #tpu.memory_space<vmem>>) dst(%dma_wait3A_91 : memref<10240x64xf32, #tpu.memory_space<vmem_shared>>)
      } else {
      }
      %mul3A_43 = arith.constant 80 : i32
      %mul3A_44 = arith.muli %mul3A_36, %mul3A_43 : i32
      %multiple_of3A_45 = tpu.assume_multiple %mul3A_44, 80 : i32
      %dma_start3A_46 = tpu.memref_slice %arg7[%multiple_of3A_45] : memref<10000xi32, #tpu.memory_space<vmem>> -> memref<80xi32, #tpu.memory_space<vmem>>
      %dma_start3A_47 = arith.constant 0 : i32
      %dma_start3A_48 = arith.constant 0 : i32
      %dma_start3A_49 = tpu.memref_slice %arg2[%dma_start3A_47, %dma_start3A_48] : memref<10000x64xf32, #tpu.memory_space<hbm>> -> memref<10000x64xf32, #tpu.memory_space<hbm>>
      tpu.enqueue_indirect_dma source(%dma_start3A_49 : memref<10000x64xf32, #tpu.memory_space<hbm>>) target(%arg9 : memref<80x64xf32, #tpu.memory_space<vmem>>) offsets(%dma_start3A_46 : memref<80xi32, #tpu.memory_space<vmem>>) semaphore(%arg12 : memref<!tpu.dma_semaphore, #tpu.memory_space<semaphore_mem>>)
      %mul3A_50 = arith.constant 80 : i32
      %mul3A_51 = arith.muli %add3A_40, %mul3A_50 : i32
      %multiple_of3A_52 = tpu.assume_multiple %mul3A_51, 80 : i32
      %dma_start3A_53 = tpu.memref_slice %arg7[%multiple_of3A_52] : memref<10000xi32, #tpu.memory_space<vmem>> -> memref<80xi32, #tpu.memory_space<vmem>>
      %dma_start3A_54 = arith.constant 0 : i32
      %dma_start3A_55 = arith.constant 0 : i32
      %dma_start3A_56 = tpu.memref_slice %arg2[%dma_start3A_54, %dma_start3A_55] : memref<10000x64xf32, #tpu.memory_space<hbm>> -> memref<10000x64xf32, #tpu.memory_space<hbm>>
      tpu.enqueue_indirect_dma source(%dma_start3A_56 : memref<10000x64xf32, #tpu.memory_space<hbm>>) target(%arg10 : memref<80x64xf32, #tpu.memory_space<vmem>>) offsets(%dma_start3A_53 : memref<80xi32, #tpu.memory_space<vmem>>) semaphore(%arg13 : memref<!tpu.dma_semaphore, #tpu.memory_space<semaphore_mem>>)
      %dma_wait3A_57 = tpu.memref_slice %arg7[%multiple_of3A_45] : memref<10000xi32, #tpu.memory_space<vmem>> -> memref<80xi32, #tpu.memory_space<vmem>>
      %dma_wait3A_58 = arith.constant 0 : i32
      %dma_wait3A_59 = arith.constant 0 : i32
      %dma_wait3A_60 = tpu.memref_slice %arg2[%dma_wait3A_58, %dma_wait3A_59] : memref<10000x64xf32, #tpu.memory_space<hbm>> -> memref<10000x64xf32, #tpu.memory_space<hbm>>
      tpu.wait_indirect_dma semaphore(%arg12 : memref<!tpu.dma_semaphore, #tpu.memory_space<semaphore_mem>>) src(%dma_wait3A_60 : memref<10000x64xf32, #tpu.memory_space<hbm>>) dst(%arg9 : memref<80x64xf32, #tpu.memory_space<vmem>>)
      %dma_start3A_61 = arith.constant 0 : i32
      %dma_start3A_62 = tpu.memref_slice %arg8[%mul3A_36, %dma_start3A_61] : memref<125x80xi32, #tpu.memory_space<vmem>> -> memref<1x80xi32, #tpu.memory_space<vmem>>
      %dma_start3A_63 = tpu.memref_squeeze %dma_start3A_62 : memref<1x80xi32, #tpu.memory_space<vmem>> -> memref<80xi32, #tpu.memory_space<vmem>>
      %dma_start3A_64 = arith.constant 0 : i32
      %dma_start3A_65 = arith.constant 0 : i32
      %dma_start3A_66 = tpu.memref_slice %arg11[%dma_start3A_64, %dma_start3A_65] : memref<10240x64xf32, #tpu.memory_space<vmem_shared>> -> memref<10240x64xf32, #tpu.memory_space<vmem_shared>>
      tpu.enqueue_indirect_dma source(%arg9 : memref<80x64xf32, #tpu.memory_space<vmem>>) target(%dma_start3A_66 : memref<10240x64xf32, #tpu.memory_space<vmem_shared>>) offsets(%dma_start3A_63 : memref<80xi32, #tpu.memory_space<vmem>>) semaphore(%arg14 : memref<!tpu.dma_semaphore, #tpu.memory_space<semaphore_mem>>) {add = true}
      %dma_wait3A_67 = tpu.memref_slice %arg7[%multiple_of3A_52] : memref<10000xi32, #tpu.memory_space<vmem>> -> memref<80xi32, #tpu.memory_space<vmem>>
      %dma_wait3A_68 = arith.constant 0 : i32
      %dma_wait3A_69 = arith.constant 0 : i32
      %dma_wait3A_70 = tpu.memref_slice %arg2[%dma_wait3A_68, %dma_wait3A_69] : memref<10000x64xf32, #tpu.memory_space<hbm>> -> memref<10000x64xf32, #tpu.memory_space<hbm>>
      tpu.wait_indirect_dma semaphore(%arg13 : memref<!tpu.dma_semaphore, #tpu.memory_space<semaphore_mem>>) src(%dma_wait3A_70 : memref<10000x64xf32, #tpu.memory_space<hbm>>) dst(%arg10 : memref<80x64xf32, #tpu.memory_space<vmem>>)
      %dma_start3A_71 = arith.constant 0 : i32
      %dma_start3A_72 = tpu.memref_slice %arg8[%add3A_40, %dma_start3A_71] : memref<125x80xi32, #tpu.memory_space<vmem>> -> memref<1x80xi32, #tpu.memory_space<vmem>>
      %dma_start3A_73 = tpu.memref_squeeze %dma_start3A_72 : memref<1x80xi32, #tpu.memory_space<vmem>> -> memref<80xi32, #tpu.memory_space<vmem>>
      %dma_start3A_74 = arith.constant 0 : i32
      %dma_start3A_75 = arith.constant 0 : i32
      %dma_start3A_76 = tpu.memref_slice %arg11[%dma_start3A_74, %dma_start3A_75] : memref<10240x64xf32, #tpu.memory_space<vmem_shared>> -> memref<10240x64xf32, #tpu.memory_space<vmem_shared>>
      tpu.enqueue_indirect_dma source(%arg10 : memref<80x64xf32, #tpu.memory_space<vmem>>) target(%dma_start3A_76 : memref<10240x64xf32, #tpu.memory_space<vmem_shared>>) offsets(%dma_start3A_73 : memref<80xi32, #tpu.memory_space<vmem>>) semaphore(%arg15 : memref<!tpu.dma_semaphore, #tpu.memory_space<semaphore_mem>>) {add = true}
    }
    %scan3A_7 = arith.constant 62 : i32
    %dma_wait3A = arith.constant 122 : i32
    %dma_wait3A_8 = arith.constant 0 : i32
    %dma_wait3A_9 = tpu.memref_slice %arg8[%dma_wait3A, %dma_wait3A_8] : memref<125x80xi32, #tpu.memory_space<vmem>> -> memref<1x80xi32, #tpu.memory_space<vmem>>
    %dma_wait3A_10 = tpu.memref_squeeze %dma_wait3A_9 : memref<1x80xi32, #tpu.memory_space<vmem>> -> memref<80xi32, #tpu.memory_space<vmem>>
    %dma_wait3A_11 = arith.constant 0 : i32
    %dma_wait3A_12 = arith.constant 0 : i32
    %dma_wait3A_13 = tpu.memref_slice %arg11[%dma_wait3A_11, %dma_wait3A_12] : memref<10240x64xf32, #tpu.memory_space<vmem_shared>> -> memref<10240x64xf32, #tpu.memory_space<vmem_shared>>
    tpu.wait_indirect_dma semaphore(%arg14 : memref<!tpu.dma_semaphore, #tpu.memory_space<semaphore_mem>>) src(%arg9 : memref<80x64xf32, #tpu.memory_space<vmem>>) dst(%dma_wait3A_13 : memref<10240x64xf32, #tpu.memory_space<vmem_shared>>)
    %dma_wait3A_14 = arith.constant 123 : i32
    %dma_wait3A_15 = arith.constant 0 : i32
    %dma_wait3A_16 = tpu.memref_slice %arg8[%dma_wait3A_14, %dma_wait3A_15] : memref<125x80xi32, #tpu.memory_space<vmem>> -> memref<1x80xi32, #tpu.memory_space<vmem>>
    %dma_wait3A_17 = tpu.memref_squeeze %dma_wait3A_16 : memref<1x80xi32, #tpu.memory_space<vmem>> -> memref<80xi32, #tpu.memory_space<vmem>>
    %dma_wait3A_18 = arith.constant 0 : i32
    %dma_wait3A_19 = arith.constant 0 : i32
    %dma_wait3A_20 = tpu.memref_slice %arg11[%dma_wait3A_18, %dma_wait3A_19] : memref<10240x64xf32, #tpu.memory_space<vmem_shared>> -> memref<10240x64xf32, #tpu.memory_space<vmem_shared>>
    tpu.wait_indirect_dma semaphore(%arg15 : memref<!tpu.dma_semaphore, #tpu.memory_space<semaphore_mem>>) src(%arg10 : memref<80x64xf32, #tpu.memory_space<vmem>>) dst(%dma_wait3A_20 : memref<10240x64xf32, #tpu.memory_space<vmem_shared>>)
    %multiple_of3A = arith.constant 9920 : i32
    %multiple_of3A_21 = tpu.assume_multiple %multiple_of3A, 80 : i32
    %dma_start3A = tpu.memref_slice %arg7[%multiple_of3A_21] : memref<10000xi32, #tpu.memory_space<vmem>> -> memref<80xi32, #tpu.memory_space<vmem>>
    %dma_start3A_22 = arith.constant 0 : i32
    %dma_start3A_23 = arith.constant 0 : i32
    %dma_start3A_24 = tpu.memref_slice %arg2[%dma_start3A_22, %dma_start3A_23] : memref<10000x64xf32, #tpu.memory_space<hbm>> -> memref<10000x64xf32, #tpu.memory_space<hbm>>
    tpu.enqueue_indirect_dma source(%dma_start3A_24 : memref<10000x64xf32, #tpu.memory_space<hbm>>) target(%arg9 : memref<80x64xf32, #tpu.memory_space<vmem>>) offsets(%dma_start3A : memref<80xi32, #tpu.memory_space<vmem>>) semaphore(%arg12 : memref<!tpu.dma_semaphore, #tpu.memory_space<semaphore_mem>>)
    %dma_wait3A_25 = tpu.memref_slice %arg7[%multiple_of3A_21] : memref<10000xi32, #tpu.memory_space<vmem>> -> memref<80xi32, #tpu.memory_space<vmem>>
    %dma_wait3A_26 = arith.constant 0 : i32
    %dma_wait3A_27 = arith.constant 0 : i32
    %dma_wait3A_28 = tpu.memref_slice %arg2[%dma_wait3A_26, %dma_wait3A_27] : memref<10000x64xf32, #tpu.memory_space<hbm>> -> memref<10000x64xf32, #tpu.memory_space<hbm>>
    tpu.wait_indirect_dma semaphore(%arg12 : memref<!tpu.dma_semaphore, #tpu.memory_space<semaphore_mem>>) src(%dma_wait3A_28 : memref<10000x64xf32, #tpu.memory_space<hbm>>) dst(%arg9 : memref<80x64xf32, #tpu.memory_space<vmem>>)
    %run_scoped3A = arith.constant 124 : i32
    "tpu.region"() ({
      %run_scoped3A_34 = tpu.sem_alloc : memref<!tpu.dma_semaphore, #tpu.memory_space<semaphore_mem>>
      %dma_start3A_35 = arith.constant 0 : i32
      %dma_start3A_36 = tpu.memref_slice %arg8[%run_scoped3A, %dma_start3A_35] : memref<125x80xi32, #tpu.memory_space<vmem>> -> memref<1x80xi32, #tpu.memory_space<vmem>>
      %dma_start3A_37 = tpu.memref_squeeze %dma_start3A_36 : memref<1x80xi32, #tpu.memory_space<vmem>> -> memref<80xi32, #tpu.memory_space<vmem>>
      %dma_start3A_38 = arith.constant 0 : i32
      %dma_start3A_39 = arith.constant 0 : i32
      %dma_start3A_40 = tpu.memref_slice %arg11[%dma_start3A_38, %dma_start3A_39] : memref<10240x64xf32, #tpu.memory_space<vmem_shared>> -> memref<10240x64xf32, #tpu.memory_space<vmem_shared>>
      tpu.enqueue_indirect_dma source(%arg9 : memref<80x64xf32, #tpu.memory_space<vmem>>) target(%dma_start3A_40 : memref<10240x64xf32, #tpu.memory_space<vmem_shared>>) offsets(%dma_start3A_37 : memref<80xi32, #tpu.memory_space<vmem>>) semaphore(%run_scoped3A_34 : memref<!tpu.dma_semaphore, #tpu.memory_space<semaphore_mem>>) {add = true}
      %dma_wait3A_41 = arith.constant 0 : i32
      %dma_wait3A_42 = tpu.memref_slice %arg8[%run_scoped3A, %dma_wait3A_41] : memref<125x80xi32, #tpu.memory_space<vmem>> -> memref<1x80xi32, #tpu.memory_space<vmem>>
      %dma_wait3A_43 = tpu.memref_squeeze %dma_wait3A_42 : memref<1x80xi32, #tpu.memory_space<vmem>> -> memref<80xi32, #tpu.memory_space<vmem>>
      %dma_wait3A_44 = arith.constant 0 : i32
      %dma_wait3A_45 = arith.constant 0 : i32
      %dma_wait3A_46 = tpu.memref_slice %arg11[%dma_wait3A_44, %dma_wait3A_45] : memref<10240x64xf32, #tpu.memory_space<vmem_shared>> -> memref<10240x64xf32, #tpu.memory_space<vmem_shared>>
      tpu.wait_indirect_dma semaphore(%run_scoped3A_34 : memref<!tpu.dma_semaphore, #tpu.memory_space<semaphore_mem>>) src(%arg9 : memref<80x64xf32, #tpu.memory_space<vmem>>) dst(%dma_wait3A_46 : memref<10240x64xf32, #tpu.memory_space<vmem_shared>>)
      tpu.yield
    }) : () -> ()
    %barrier3A_29 = arith.constant 0 : index
    tpu.barrier barrier_id(%barrier3A_29)
    %mul3A_30 = arith.constant 640 : i32
    %mul3A_31 = arith.muli %arg1, %mul3A_30 : i32
    %mul3A_32 = arith.constant 640 : i32
    %mul3A_33 = arith.muli %arg1, %mul3A_32 : i32
    "tpu.region"() ({
      %run_scoped3A_34 = tpu.sem_alloc : memref<!tpu.dma_semaphore, #tpu.memory_space<semaphore_mem>>
      %dma_start3A_35 = arith.constant 0 : i32
      %dma_start3A_36 = arith.constant 0 : i32
      %dma_start3A_37 = tpu.memref_slice %arg6[%arg0, %dma_start3A_35, %dma_start3A_36] : memref<2x10240x64xf32, #tpu.memory_space<hbm>> -> memref<1x10240x64xf32, #tpu.memory_space<hbm>>
      %dma_start3A_38 = tpu.memref_squeeze %dma_start3A_37 : memref<1x10240x64xf32, #tpu.memory_space<hbm>> -> memref<10240x64xf32, #tpu.memory_space<hbm>>
      %dma_start3A_39 = arith.constant 0 : i32
      %dma_start3A_40 = tpu.memref_slice %dma_start3A_38[%mul3A_33, %dma_start3A_39] : memref<10240x64xf32, #tpu.memory_space<hbm>> -> memref<640x64xf32, #tpu.memory_space<hbm>>
      %dma_start3A_41 = arith.constant 0 : i32
      %dma_start3A_42 = tpu.memref_slice %arg11[%mul3A_31, %dma_start3A_41] : memref<10240x64xf32, #tpu.memory_space<vmem_shared>> -> memref<640x64xf32, #tpu.memory_space<vmem_shared>>
      tpu.enqueue_dma source(%dma_start3A_42 : memref<640x64xf32, #tpu.memory_space<vmem_shared>>) target(%dma_start3A_40 : memref<640x64xf32, #tpu.memory_space<hbm>>) target_semaphore(%run_scoped3A_34 : memref<!tpu.dma_semaphore, #tpu.memory_space<semaphore_mem>>)
      %dma_wait3A_43 = arith.constant 0 : i32
      %dma_wait3A_44 = arith.constant 0 : i32
      %dma_wait3A_45 = tpu.memref_slice %arg6[%arg0, %dma_wait3A_43, %dma_wait3A_44] : memref<2x10240x64xf32, #tpu.memory_space<hbm>> -> memref<1x10240x64xf32, #tpu.memory_space<hbm>>
      %dma_wait3A_46 = tpu.memref_squeeze %dma_wait3A_45 : memref<1x10240x64xf32, #tpu.memory_space<hbm>> -> memref<10240x64xf32, #tpu.memory_space<hbm>>
      %dma_wait3A_47 = arith.constant 0 : i32
      %dma_wait3A_48 = tpu.memref_slice %dma_wait3A_46[%mul3A_33, %dma_wait3A_47] : memref<10240x64xf32, #tpu.memory_space<hbm>> -> memref<640x64xf32, #tpu.memory_space<hbm>>
      %dma_wait3A_49 = arith.constant 0 : i32
      %dma_wait3A_50 = tpu.memref_slice %arg11[%mul3A_31, %dma_wait3A_49] : memref<10240x64xf32, #tpu.memory_space<vmem_shared>> -> memref<640x64xf32, #tpu.memory_space<vmem_shared>>
      tpu.wait_dma2 semaphore(%run_scoped3A_34 : memref<!tpu.dma_semaphore, #tpu.memory_space<semaphore_mem>>) src(%dma_wait3A_50 : memref<640x64xf32, #tpu.memory_space<vmem_shared>>) dst(%dma_wait3A_48 : memref<640x64xf32, #tpu.memory_space<hbm>>)
      tpu.yield
    }) : () -> ()
    return
  }
}

#map = affine_map<(d0, d1) -> (0, 0)>
#map1 = affine_map<(d0, d1) -> (0, 0, 0)>
module attributes {stable_mosaic.version = 14 : i64} {
  func.func @_sc_gather_scatter(%arg0: i32, %arg1: i32, %arg2: memref<10000x64xf32, #tpu.memory_space<hbm>>, %arg3: memref<32x10000xi32, #tpu.memory_space<hbm>>, %arg4: memref<32x125x80xi32, #tpu.memory_space<hbm>>, %arg5: memref<640x64xf32, #tpu.memory_space<hbm>>, %arg6: memref<2x10240x64xf32, #tpu.memory_space<hbm>>, %arg7: memref<10000xi32, #tpu.memory_space<vmem>>, %arg8: memref<125x80xi32, #tpu.memory_space<vmem>>, %arg9: memref<80x64xf32, #tpu.memory_space<vmem>>, %arg10: memref<80x64xf32, #tpu.memory_space<vmem>>, %arg11: memref<10240x64xf32, #tpu.memory_space<vmem_shared>>, %arg12: memref<!tpu.dma_semaphore, #tpu.memory_space<semaphore_mem>>, %arg13: memref<!tpu.dma_semaphore, #tpu.memory_space<semaphore_mem>>, %arg14: memref<!tpu.dma_semaphore, #tpu.memory_space<semaphore_mem>>, %arg15: memref<!tpu.dma_semaphore, #tpu.memory_space<semaphore_mem>>) attributes {dimension_semantics = [#tpu.dimension_semantics<core_parallel>, #tpu.dimension_semantics<subcore_parallel>], iteration_bounds = array<i64: 2, 16>, scalar_prefetch = 0 : i64, scratch_operands = 9 : i64, tpu.core_type = #tpu.core_type<sc_vector_subcore>, window_params = [{transform_indices = #map}, {transform_indices = #map}, {transform_indices = #map1}, {transform_indices = #map}, {transform_indices = #map1}]} {
    %mul3A = arith.constant 2 : i32
    %mul3A_0 = arith.muli %arg1, %mul3A : i32
    %add3A = arith.addi %mul3A_0, %arg0 : i32
    %mul3A_1 = arith.constant 640 : i32
    %mul3A_2 = arith.muli %arg1, %mul3A_1 : i32
    "tpu.region"() ({
      %run_scoped3A_34 = tpu.sem_alloc : memref<!tpu.dma_semaphore, #tpu.memory_space<semaphore_mem>>
      %dma_start3A_35 = arith.constant 0 : i32
      %dma_start3A_36 = tpu.memref_slice %arg11[%mul3A_2, %dma_start3A_35] : memref<10240x64xf32, #tpu.memory_space<vmem_shared>> -> memref<640x64xf32, #tpu.memory_space<vmem_shared>>
      tpu.enqueue_dma source(%arg5 : memref<640x64xf32, #tpu.memory_space<hbm>>) target(%dma_start3A_36 : memref<640x64xf32, #tpu.memory_space<vmem_shared>>) target_semaphore(%run_scoped3A_34 : memref<!tpu.dma_semaphore, #tpu.memory_space<semaphore_mem>>)
      %dma_wait3A_37 = arith.constant 0 : i32
      %dma_wait3A_38 = tpu.memref_slice %arg11[%mul3A_2, %dma_wait3A_37] : memref<10240x64xf32, #tpu.memory_space<vmem_shared>> -> memref<640x64xf32, #tpu.memory_space<vmem_shared>>
      tpu.wait_dma2 semaphore(%run_scoped3A_34 : memref<!tpu.dma_semaphore, #tpu.memory_space<semaphore_mem>>) src(%arg5 : memref<640x64xf32, #tpu.memory_space<hbm>>) dst(%dma_wait3A_38 : memref<640x64xf32, #tpu.memory_space<vmem_shared>>)
      tpu.yield
    }) : () -> ()
    %barrier3A = arith.constant 0 : index
    tpu.barrier barrier_id(%barrier3A)
    "tpu.region"() ({
      %run_scoped3A_34 = tpu.sem_alloc : memref<!tpu.dma_semaphore, #tpu.memory_space<semaphore_mem>>
      %dma_start3A_35 = arith.constant 0 : i32
      %dma_start3A_36 = tpu.memref_slice %arg3[%add3A, %dma_start3A_35] : memref<32x10000xi32, #tpu.memory_space<hbm>> -> memref<1x10000xi32, #tpu.memory_space<hbm>>
      %dma_start3A_37 = tpu.memref_squeeze %dma_start3A_36 : memref<1x10000xi32, #tpu.memory_space<hbm>> -> memref<10000xi32, #tpu.memory_space<hbm>>
      %dma_start3A_38 = arith.constant 0 : i32
      %dma_start3A_39 = tpu.memref_slice %arg3[%add3A, %dma_start3A_38] : memref<32x10000xi32, #tpu.memory_space<hbm>> -> memref<1x10000xi32, #tpu.memory_space<hbm>>
      %dma_start3A_40 = tpu.memref_squeeze %dma_start3A_39 : memref<1x10000xi32, #tpu.memory_space<hbm>> -> memref<10000xi32, #tpu.memory_space<hbm>>
      tpu.enqueue_dma source(%dma_start3A_40 : memref<10000xi32, #tpu.memory_space<hbm>>) target(%arg7 : memref<10000xi32, #tpu.memory_space<vmem>>) target_semaphore(%run_scoped3A_34 : memref<!tpu.dma_semaphore, #tpu.memory_space<semaphore_mem>>)
      %dma_wait3A_41 = arith.constant 0 : i32
      %dma_wait3A_42 = tpu.memref_slice %arg3[%add3A, %dma_wait3A_41] : memref<32x10000xi32, #tpu.memory_space<hbm>> -> memref<1x10000xi32, #tpu.memory_space<hbm>>
      %dma_wait3A_43 = tpu.memref_squeeze %dma_wait3A_42 : memref<1x10000xi32, #tpu.memory_space<hbm>> -> memref<10000xi32, #tpu.memory_space<hbm>>
      %dma_wait3A_44 = arith.constant 0 : i32
      %dma_wait3A_45 = tpu.memref_slice %arg3[%add3A, %dma_wait3A_44] : memref<32x10000xi32, #tpu.memory_space<hbm>> -> memref<1x10000xi32, #tpu.memory_space<hbm>>
      %dma_wait3A_46 = tpu.memref_squeeze %dma_wait3A_45 : memref<1x10000xi32, #tpu.memory_space<hbm>> -> memref<10000xi32, #tpu.memory_space<hbm>>
      tpu.wait_dma2 semaphore(%run_scoped3A_34 : memref<!tpu.dma_semaphore, #tpu.memory_space<semaphore_mem>>) src(%dma_wait3A_46 : memref<10000xi32, #tpu.memory_space<hbm>>) dst(%arg7 : memref<10000xi32, #tpu.memory_space<vmem>>)
      tpu.yield
    }) : () -> ()
    "tpu.region"() ({
      %run_scoped3A_34 = tpu.sem_alloc : memref<!tpu.dma_semaphore, #tpu.memory_space<semaphore_mem>>
      %dma_start3A_35 = arith.constant 0 : i32
      %dma_start3A_36 = arith.constant 0 : i32
      %dma_start3A_37 = tpu.memref_slice %arg4[%add3A, %dma_start3A_35, %dma_start3A_36] : memref<32x125x80xi32, #tpu.memory_space<hbm>> -> memref<1x125x80xi32, #tpu.memory_space<hbm>>
      %dma_start3A_38 = tpu.memref_squeeze %dma_start3A_37 : memref<1x125x80xi32, #tpu.memory_space<hbm>> -> memref<125x80xi32, #tpu.memory_space<hbm>>
      %dma_start3A_39 = arith.constant 0 : i32
      %dma_start3A_40 = arith.constant 0 : i32
      %dma_start3A_41 = tpu.memref_slice %arg4[%add3A, %dma_start3A_39, %dma_start3A_40] : memref<32x125x80xi32, #tpu.memory_space<hbm>> -> memref<1x125x80xi32, #tpu.memory_space<hbm>>
      %dma_start3A_42 = tpu.memref_squeeze %dma_start3A_41 : memref<1x125x80xi32, #tpu.memory_space<hbm>> -> memref<125x80xi32, #tpu.memory_space<hbm>>
      tpu.enqueue_dma source(%dma_start3A_42 : memref<125x80xi32, #tpu.memory_space<hbm>>) target(%arg8 : memref<125x80xi32, #tpu.memory_space<vmem>>) target_semaphore(%run_scoped3A_34 : memref<!tpu.dma_semaphore, #tpu.memory_space<semaphore_mem>>)
      %dma_wait3A_43 = arith.constant 0 : i32
      %dma_wait3A_44 = arith.constant 0 : i32
      %dma_wait3A_45 = tpu.memref_slice %arg4[%add3A, %dma_wait3A_43, %dma_wait3A_44] : memref<32x125x80xi32, #tpu.memory_space<hbm>> -> memref<1x125x80xi32, #tpu.memory_space<hbm>>
      %dma_wait3A_46 = tpu.memref_squeeze %dma_wait3A_45 : memref<1x125x80xi32, #tpu.memory_space<hbm>> -> memref<125x80xi32, #tpu.memory_space<hbm>>
      %dma_wait3A_47 = arith.constant 0 : i32
      %dma_wait3A_48 = arith.constant 0 : i32
      %dma_wait3A_49 = tpu.memref_slice %arg4[%add3A, %dma_wait3A_47, %dma_wait3A_48] : memref<32x125x80xi32, #tpu.memory_space<hbm>> -> memref<1x125x80xi32, #tpu.memory_space<hbm>>
      %dma_wait3A_50 = tpu.memref_squeeze %dma_wait3A_49 : memref<1x125x80xi32, #tpu.memory_space<hbm>> -> memref<125x80xi32, #tpu.memory_space<hbm>>
      tpu.wait_dma2 semaphore(%run_scoped3A_34 : memref<!tpu.dma_semaphore, #tpu.memory_space<semaphore_mem>>) src(%dma_wait3A_50 : memref<125x80xi32, #tpu.memory_space<hbm>>) dst(%arg8 : memref<125x80xi32, #tpu.memory_space<vmem>>)
      tpu.yield
    }) : () -> ()
    %scan3A = arith.constant 0 : i32
    %scan3A_3 = arith.constant 0 : i32
    %scan3A_4 = arith.constant 62 : i32
    %scan3A_5 = arith.addi %scan3A_3, %scan3A_4 : i32
    %scan3A_6 = arith.constant 1 : i32
    scf.for %scan3A_34 = %scan3A_3 to %scan3A_5 step %scan3A_6  : i32 {
      %mul3A_35 = arith.constant 2 : i32
      %mul3A_36 = arith.muli %mul3A_35, %scan3A_34 : i32
      %mul3A_37 = arith.constant 2 : i32
      %mul3A_38 = arith.muli %mul3A_37, %scan3A_34 : i32
      %add3A_39 = arith.constant 1 : i32
      %add3A_40 = arith.addi %mul3A_38, %add3A_39 : i32
      %gt3A = arith.constant 0 : i32
      %gt3A_41 = arith.cmpi sgt, %scan3A_34, %gt3A : i32
      %convert_element_type3A = arith.extui %gt3A_41 : i1 to i32
      %cond3A = arith.constant 0 : i32
      %cond3A_42 = arith.cmpi ne, %convert_element_type3A, %cond3A : i32
      scf.if %cond3A_42 {
        %sub3A = arith.constant 2 : i32
        %sub3A_77 = arith.subi %mul3A_36, %sub3A : i32
        %sub3A_78 = arith.constant 2 : i32
        %sub3A_79 = arith.subi %add3A_40, %sub3A_78 : i32
        %dma_wait3A_80 = arith.constant 0 : i32
        %dma_wait3A_81 = tpu.memref_slice %arg8[%sub3A_77, %dma_wait3A_80] : memref<125x80xi32, #tpu.memory_space<vmem>> -> memref<1x80xi32, #tpu.memory_space<vmem>>
        %dma_wait3A_82 = tpu.memref_squeeze %dma_wait3A_81 : memref<1x80xi32, #tpu.memory_space<vmem>> -> memref<80xi32, #tpu.memory_space<vmem>>
        %dma_wait3A_83 = arith.constant 0 : i32
        %dma_wait3A_84 = arith.constant 0 : i32
        %dma_wait3A_85 = tpu.memref_slice %arg11[%dma_wait3A_83, %dma_wait3A_84] : memref<10240x64xf32, #tpu.memory_space<vmem_shared>> -> memref<10240x64xf32, #tpu.memory_space<vmem_shared>>
        tpu.wait_indirect_dma semaphore(%arg14 : memref<!tpu.dma_semaphore, #tpu.memory_space<semaphore_mem>>) src(%arg9 : memref<80x64xf32, #tpu.memory_space<vmem>>) dst(%dma_wait3A_85 : memref<10240x64xf32, #tpu.memory_space<vmem_shared>>)
        %dma_wait3A_86 = arith.constant 0 : i32
        %dma_wait3A_87 = tpu.memref_slice %arg8[%sub3A_79, %dma_wait3A_86] : memref<125x80xi32, #tpu.memory_space<vmem>> -> memref<1x80xi32, #tpu.memory_space<vmem>>
        %dma_wait3A_88 = tpu.memref_squeeze %dma_wait3A_87 : memref<1x80xi32, #tpu.memory_space<vmem>> -> memref<80xi32, #tpu.memory_space<vmem>>
        %dma_wait3A_89 = arith.constant 0 : i32
        %dma_wait3A_90 = arith.constant 0 : i32
        %dma_wait3A_91 = tpu.memref_slice %arg11[%dma_wait3A_89, %dma_wait3A_90] : memref<10240x64xf32, #tpu.memory_space<vmem_shared>> -> memref<10240x64xf32, #tpu.memory_space<vmem_shared>>
        tpu.wait_indirect_dma semaphore(%arg15 : memref<!tpu.dma_semaphore, #tpu.memory_space<semaphore_mem>>) src(%arg10 : memref<80x64xf32, #tpu.memory_space<vmem>>) dst(%dma_wait3A_91 : memref<10240x64xf32, #tpu.memory_space<vmem_shared>>)
      } else {
      }
      %mul3A_43 = arith.constant 80 : i32
      %mul3A_44 = arith.muli %mul3A_36, %mul3A_43 : i32
      %multiple_of3A_45 = tpu.assume_multiple %mul3A_44, 80 : i32
      %dma_start3A_46 = tpu.memref_slice %arg7[%multiple_of3A_45] : memref<10000xi32, #tpu.memory_space<vmem>> -> memref<80xi32, #tpu.memory_space<vmem>>
      %dma_start3A_47 = arith.constant 0 : i32
      %dma_start3A_48 = arith.constant 0 : i32
      %dma_start3A_49 = tpu.memref_slice %arg2[%dma_start3A_47, %dma_start3A_48] : memref<10000x64xf32, #tpu.memory_space<hbm>> -> memref<10000x64xf32, #tpu.memory_space<hbm>>
      tpu.enqueue_indirect_dma source(%dma_start3A_49 : memref<10000x64xf32, #tpu.memory_space<hbm>>) target(%arg9 : memref<80x64xf32, #tpu.memory_space<vmem>>) offsets(%dma_start3A_46 : memref<80xi32, #tpu.memory_space<vmem>>) semaphore(%arg12 : memref<!tpu.dma_semaphore, #tpu.memory_space<semaphore_mem>>)
      %mul3A_50 = arith.constant 80 : i32
      %mul3A_51 = arith.muli %add3A_40, %mul3A_50 : i32
      %multiple_of3A_52 = tpu.assume_multiple %mul3A_51, 80 : i32
      %dma_start3A_53 = tpu.memref_slice %arg7[%multiple_of3A_52] : memref<10000xi32, #tpu.memory_space<vmem>> -> memref<80xi32, #tpu.memory_space<vmem>>
      %dma_start3A_54 = arith.constant 0 : i32
      %dma_start3A_55 = arith.constant 0 : i32
      %dma_start3A_56 = tpu.memref_slice %arg2[%dma_start3A_54, %dma_start3A_55] : memref<10000x64xf32, #tpu.memory_space<hbm>> -> memref<10000x64xf32, #tpu.memory_space<hbm>>
      tpu.enqueue_indirect_dma source(%dma_start3A_56 : memref<10000x64xf32, #tpu.memory_space<hbm>>) target(%arg10 : memref<80x64xf32, #tpu.memory_space<vmem>>) offsets(%dma_start3A_53 : memref<80xi32, #tpu.memory_space<vmem>>) semaphore(%arg13 : memref<!tpu.dma_semaphore, #tpu.memory_space<semaphore_mem>>)
      %dma_wait3A_57 = tpu.memref_slice %arg7[%multiple_of3A_45] : memref<10000xi32, #tpu.memory_space<vmem>> -> memref<80xi32, #tpu.memory_space<vmem>>
      %dma_wait3A_58 = arith.constant 0 : i32
      %dma_wait3A_59 = arith.constant 0 : i32
      %dma_wait3A_60 = tpu.memref_slice %arg2[%dma_wait3A_58, %dma_wait3A_59] : memref<10000x64xf32, #tpu.memory_space<hbm>> -> memref<10000x64xf32, #tpu.memory_space<hbm>>
      tpu.wait_indirect_dma semaphore(%arg12 : memref<!tpu.dma_semaphore, #tpu.memory_space<semaphore_mem>>) src(%dma_wait3A_60 : memref<10000x64xf32, #tpu.memory_space<hbm>>) dst(%arg9 : memref<80x64xf32, #tpu.memory_space<vmem>>)
      %dma_start3A_61 = arith.constant 0 : i32
      %dma_start3A_62 = tpu.memref_slice %arg8[%mul3A_36, %dma_start3A_61] : memref<125x80xi32, #tpu.memory_space<vmem>> -> memref<1x80xi32, #tpu.memory_space<vmem>>
      %dma_start3A_63 = tpu.memref_squeeze %dma_start3A_62 : memref<1x80xi32, #tpu.memory_space<vmem>> -> memref<80xi32, #tpu.memory_space<vmem>>
      %dma_start3A_64 = arith.constant 0 : i32
      %dma_start3A_65 = arith.constant 0 : i32
      %dma_start3A_66 = tpu.memref_slice %arg11[%dma_start3A_64, %dma_start3A_65] : memref<10240x64xf32, #tpu.memory_space<vmem_shared>> -> memref<10240x64xf32, #tpu.memory_space<vmem_shared>>
      tpu.enqueue_indirect_dma source(%arg9 : memref<80x64xf32, #tpu.memory_space<vmem>>) target(%dma_start3A_66 : memref<10240x64xf32, #tpu.memory_space<vmem_shared>>) offsets(%dma_start3A_63 : memref<80xi32, #tpu.memory_space<vmem>>) semaphore(%arg14 : memref<!tpu.dma_semaphore, #tpu.memory_space<semaphore_mem>>) {add = true}
      %dma_wait3A_67 = tpu.memref_slice %arg7[%multiple_of3A_52] : memref<10000xi32, #tpu.memory_space<vmem>> -> memref<80xi32, #tpu.memory_space<vmem>>
      %dma_wait3A_68 = arith.constant 0 : i32
      %dma_wait3A_69 = arith.constant 0 : i32
      %dma_wait3A_70 = tpu.memref_slice %arg2[%dma_wait3A_68, %dma_wait3A_69] : memref<10000x64xf32, #tpu.memory_space<hbm>> -> memref<10000x64xf32, #tpu.memory_space<hbm>>
      tpu.wait_indirect_dma semaphore(%arg13 : memref<!tpu.dma_semaphore, #tpu.memory_space<semaphore_mem>>) src(%dma_wait3A_70 : memref<10000x64xf32, #tpu.memory_space<hbm>>) dst(%arg10 : memref<80x64xf32, #tpu.memory_space<vmem>>)
      %dma_start3A_71 = arith.constant 0 : i32
      %dma_start3A_72 = tpu.memref_slice %arg8[%add3A_40, %dma_start3A_71] : memref<125x80xi32, #tpu.memory_space<vmem>> -> memref<1x80xi32, #tpu.memory_space<vmem>>
      %dma_start3A_73 = tpu.memref_squeeze %dma_start3A_72 : memref<1x80xi32, #tpu.memory_space<vmem>> -> memref<80xi32, #tpu.memory_space<vmem>>
      %dma_start3A_74 = arith.constant 0 : i32
      %dma_start3A_75 = arith.constant 0 : i32
      %dma_start3A_76 = tpu.memref_slice %arg11[%dma_start3A_74, %dma_start3A_75] : memref<10240x64xf32, #tpu.memory_space<vmem_shared>> -> memref<10240x64xf32, #tpu.memory_space<vmem_shared>>
      tpu.enqueue_indirect_dma source(%arg10 : memref<80x64xf32, #tpu.memory_space<vmem>>) target(%dma_start3A_76 : memref<10240x64xf32, #tpu.memory_space<vmem_shared>>) offsets(%dma_start3A_73 : memref<80xi32, #tpu.memory_space<vmem>>) semaphore(%arg15 : memref<!tpu.dma_semaphore, #tpu.memory_space<semaphore_mem>>) {add = true}
    }
    %scan3A_7 = arith.constant 62 : i32
    %dma_wait3A = arith.constant 122 : i32
    %dma_wait3A_8 = arith.constant 0 : i32
    %dma_wait3A_9 = tpu.memref_slice %arg8[%dma_wait3A, %dma_wait3A_8] : memref<125x80xi32, #tpu.memory_space<vmem>> -> memref<1x80xi32, #tpu.memory_space<vmem>>
    %dma_wait3A_10 = tpu.memref_squeeze %dma_wait3A_9 : memref<1x80xi32, #tpu.memory_space<vmem>> -> memref<80xi32, #tpu.memory_space<vmem>>
    %dma_wait3A_11 = arith.constant 0 : i32
    %dma_wait3A_12 = arith.constant 0 : i32
    %dma_wait3A_13 = tpu.memref_slice %arg11[%dma_wait3A_11, %dma_wait3A_12] : memref<10240x64xf32, #tpu.memory_space<vmem_shared>> -> memref<10240x64xf32, #tpu.memory_space<vmem_shared>>
    tpu.wait_indirect_dma semaphore(%arg14 : memref<!tpu.dma_semaphore, #tpu.memory_space<semaphore_mem>>) src(%arg9 : memref<80x64xf32, #tpu.memory_space<vmem>>) dst(%dma_wait3A_13 : memref<10240x64xf32, #tpu.memory_space<vmem_shared>>)
    %dma_wait3A_14 = arith.constant 123 : i32
    %dma_wait3A_15 = arith.constant 0 : i32
    %dma_wait3A_16 = tpu.memref_slice %arg8[%dma_wait3A_14, %dma_wait3A_15] : memref<125x80xi32, #tpu.memory_space<vmem>> -> memref<1x80xi32, #tpu.memory_space<vmem>>
    %dma_wait3A_17 = tpu.memref_squeeze %dma_wait3A_16 : memref<1x80xi32, #tpu.memory_space<vmem>> -> memref<80xi32, #tpu.memory_space<vmem>>
    %dma_wait3A_18 = arith.constant 0 : i32
    %dma_wait3A_19 = arith.constant 0 : i32
    %dma_wait3A_20 = tpu.memref_slice %arg11[%dma_wait3A_18, %dma_wait3A_19] : memref<10240x64xf32, #tpu.memory_space<vmem_shared>> -> memref<10240x64xf32, #tpu.memory_space<vmem_shared>>
    tpu.wait_indirect_dma semaphore(%arg15 : memref<!tpu.dma_semaphore, #tpu.memory_space<semaphore_mem>>) src(%arg10 : memref<80x64xf32, #tpu.memory_space<vmem>>) dst(%dma_wait3A_20 : memref<10240x64xf32, #tpu.memory_space<vmem_shared>>)
    %multiple_of3A = arith.constant 9920 : i32
    %multiple_of3A_21 = tpu.assume_multiple %multiple_of3A, 80 : i32
    %dma_start3A = tpu.memref_slice %arg7[%multiple_of3A_21] : memref<10000xi32, #tpu.memory_space<vmem>> -> memref<80xi32, #tpu.memory_space<vmem>>
    %dma_start3A_22 = arith.constant 0 : i32
    %dma_start3A_23 = arith.constant 0 : i32
    %dma_start3A_24 = tpu.memref_slice %arg2[%dma_start3A_22, %dma_start3A_23] : memref<10000x64xf32, #tpu.memory_space<hbm>> -> memref<10000x64xf32, #tpu.memory_space<hbm>>
    tpu.enqueue_indirect_dma source(%dma_start3A_24 : memref<10000x64xf32, #tpu.memory_space<hbm>>) target(%arg9 : memref<80x64xf32, #tpu.memory_space<vmem>>) offsets(%dma_start3A : memref<80xi32, #tpu.memory_space<vmem>>) semaphore(%arg12 : memref<!tpu.dma_semaphore, #tpu.memory_space<semaphore_mem>>)
    %dma_wait3A_25 = tpu.memref_slice %arg7[%multiple_of3A_21] : memref<10000xi32, #tpu.memory_space<vmem>> -> memref<80xi32, #tpu.memory_space<vmem>>
    %dma_wait3A_26 = arith.constant 0 : i32
    %dma_wait3A_27 = arith.constant 0 : i32
    %dma_wait3A_28 = tpu.memref_slice %arg2[%dma_wait3A_26, %dma_wait3A_27] : memref<10000x64xf32, #tpu.memory_space<hbm>> -> memref<10000x64xf32, #tpu.memory_space<hbm>>
    tpu.wait_indirect_dma semaphore(%arg12 : memref<!tpu.dma_semaphore, #tpu.memory_space<semaphore_mem>>) src(%dma_wait3A_28 : memref<10000x64xf32, #tpu.memory_space<hbm>>) dst(%arg9 : memref<80x64xf32, #tpu.memory_space<vmem>>)
    %run_scoped3A = arith.constant 124 : i32
    "tpu.region"() ({
      %run_scoped3A_34 = tpu.sem_alloc : memref<!tpu.dma_semaphore, #tpu.memory_space<semaphore_mem>>
      %dma_start3A_35 = arith.constant 0 : i32
      %dma_start3A_36 = tpu.memref_slice %arg8[%run_scoped3A, %dma_start3A_35] : memref<125x80xi32, #tpu.memory_space<vmem>> -> memref<1x80xi32, #tpu.memory_space<vmem>>
      %dma_start3A_37 = tpu.memref_squeeze %dma_start3A_36 : memref<1x80xi32, #tpu.memory_space<vmem>> -> memref<80xi32, #tpu.memory_space<vmem>>
      %dma_start3A_38 = arith.constant 0 : i32
      %dma_start3A_39 = arith.constant 0 : i32
      %dma_start3A_40 = tpu.memref_slice %arg11[%dma_start3A_38, %dma_start3A_39] : memref<10240x64xf32, #tpu.memory_space<vmem_shared>> -> memref<10240x64xf32, #tpu.memory_space<vmem_shared>>
      tpu.enqueue_indirect_dma source(%arg9 : memref<80x64xf32, #tpu.memory_space<vmem>>) target(%dma_start3A_40 : memref<10240x64xf32, #tpu.memory_space<vmem_shared>>) offsets(%dma_start3A_37 : memref<80xi32, #tpu.memory_space<vmem>>) semaphore(%run_scoped3A_34 : memref<!tpu.dma_semaphore, #tpu.memory_space<semaphore_mem>>) {add = true}
      %dma_wait3A_41 = arith.constant 0 : i32
      %dma_wait3A_42 = tpu.memref_slice %arg8[%run_scoped3A, %dma_wait3A_41] : memref<125x80xi32, #tpu.memory_space<vmem>> -> memref<1x80xi32, #tpu.memory_space<vmem>>
      %dma_wait3A_43 = tpu.memref_squeeze %dma_wait3A_42 : memref<1x80xi32, #tpu.memory_space<vmem>> -> memref<80xi32, #tpu.memory_space<vmem>>
      %dma_wait3A_44 = arith.constant 0 : i32
      %dma_wait3A_45 = arith.constant 0 : i32
      %dma_wait3A_46 = tpu.memref_slice %arg11[%dma_wait3A_44, %dma_wait3A_45] : memref<10240x64xf32, #tpu.memory_space<vmem_shared>> -> memref<10240x64xf32, #tpu.memory_space<vmem_shared>>
      tpu.wait_indirect_dma semaphore(%run_scoped3A_34 : memref<!tpu.dma_semaphore, #tpu.memory_space<semaphore_mem>>) src(%arg9 : memref<80x64xf32, #tpu.memory_space<vmem>>) dst(%dma_wait3A_46 : memref<10240x64xf32, #tpu.memory_space<vmem_shared>>)
      tpu.yield
    }) : () -> ()
    %barrier3A_29 = arith.constant 0 : index
    tpu.barrier barrier_id(%barrier3A_29)
    %mul3A_30 = arith.constant 640 : i32
    %mul3A_31 = arith.muli %arg1, %mul3A_30 : i32
    %mul3A_32 = arith.constant 640 : i32
    %mul3A_33 = arith.muli %arg1, %mul3A_32 : i32
    "tpu.region"() ({
      %run_scoped3A_34 = tpu.sem_alloc : memref<!tpu.dma_semaphore, #tpu.memory_space<semaphore_mem>>
      %dma_start3A_35 = arith.constant 0 : i32
      %dma_start3A_36 = arith.constant 0 : i32
      %dma_start3A_37 = tpu.memref_slice %arg6[%arg0, %dma_start3A_35, %dma_start3A_36] : memref<2x10240x64xf32, #tpu.memory_space<hbm>> -> memref<1x10240x64xf32, #tpu.memory_space<hbm>>
      %dma_start3A_38 = tpu.memref_squeeze %dma_start3A_37 : memref<1x10240x64xf32, #tpu.memory_space<hbm>> -> memref<10240x64xf32, #tpu.memory_space<hbm>>
      %dma_start3A_39 = arith.constant 0 : i32
      %dma_start3A_40 = tpu.memref_slice %dma_start3A_38[%mul3A_33, %dma_start3A_39] : memref<10240x64xf32, #tpu.memory_space<hbm>> -> memref<640x64xf32, #tpu.memory_space<hbm>>
      %dma_start3A_41 = arith.constant 0 : i32
      %dma_start3A_42 = tpu.memref_slice %arg11[%mul3A_31, %dma_start3A_41] : memref<10240x64xf32, #tpu.memory_space<vmem_shared>> -> memref<640x64xf32, #tpu.memory_space<vmem_shared>>
      tpu.enqueue_dma source(%dma_start3A_42 : memref<640x64xf32, #tpu.memory_space<vmem_shared>>) target(%dma_start3A_40 : memref<640x64xf32, #tpu.memory_space<hbm>>) target_semaphore(%run_scoped3A_34 : memref<!tpu.dma_semaphore, #tpu.memory_space<semaphore_mem>>)
      %dma_wait3A_43 = arith.constant 0 : i32
      %dma_wait3A_44 = arith.constant 0 : i32
      %dma_wait3A_45 = tpu.memref_slice %arg6[%arg0, %dma_wait3A_43, %dma_wait3A_44] : memref<2x10240x64xf32, #tpu.memory_space<hbm>> -> memref<1x10240x64xf32, #tpu.memory_space<hbm>>
      %dma_wait3A_46 = tpu.memref_squeeze %dma_wait3A_45 : memref<1x10240x64xf32, #tpu.memory_space<hbm>> -> memref<10240x64xf32, #tpu.memory_space<hbm>>
      %dma_wait3A_47 = arith.constant 0 : i32
      %dma_wait3A_48 = tpu.memref_slice %dma_wait3A_46[%mul3A_33, %dma_wait3A_47] : memref<10240x64xf32, #tpu.memory_space<hbm>> -> memref<640x64xf32, #tpu.memory_space<hbm>>
      %dma_wait3A_49 = arith.constant 0 : i32
      %dma_wait3A_50 = tpu.memref_slice %arg11[%mul3A_31, %dma_wait3A_49] : memref<10240x64xf32, #tpu.memory_space<vmem_shared>> -> memref<640x64xf32, #tpu.memory_space<vmem_shared>>
      tpu.wait_dma2 semaphore(%run_scoped3A_34 : memref<!tpu.dma_semaphore, #tpu.memory_space<semaphore_mem>>) src(%dma_wait3A_50 : memref<640x64xf32, #tpu.memory_space<vmem_shared>>) dst(%dma_wait3A_48 : memref<640x64xf32, #tpu.memory_space<hbm>>)
      tpu.yield
    }) : () -> ()
    return
  }
}

module attributes {stable_mosaic.version = 14 : i64} {
  func.func @_edge_term_body(%arg0: i32, %arg1: memref<2000x32xf32, #tpu.memory_space<vmem>>, %arg2: memref<128x32xf32, #tpu.memory_space<vmem>>, %arg3: memref<1x128xf32, #tpu.memory_space<vmem>>, %arg4: memref<128x128xf32, #tpu.memory_space<vmem>>, %arg5: memref<1x128xf32, #tpu.memory_space<vmem>>, %arg6: memref<2000x128xf32, #tpu.memory_space<vmem>>) attributes {dimension_semantics = [#tpu.dimension_semantics<arbitrary>], iteration_bounds = array<i64: 80>, scalar_prefetch = 0 : i64, scratch_operands = 0 : i64, tpu.core_type = #tpu.core_type<tc>, window_params = [{transform_indices = @transform_0, window_bounds = array<i64: 2000, 32>}, {pipeline_mode = #tpu.pipeline_mode<synchronous>, transform_indices = @transform_1, window_bounds = array<i64: 128, 32>}, {pipeline_mode = #tpu.pipeline_mode<synchronous>, transform_indices = @transform_2, window_bounds = array<i64: 1, 128>}, {pipeline_mode = #tpu.pipeline_mode<synchronous>, transform_indices = @transform_3, window_bounds = array<i64: 128, 128>}, {pipeline_mode = #tpu.pipeline_mode<synchronous>, transform_indices = @transform_4, window_bounds = array<i64: 1, 128>}, {transform_indices = @transform_5, window_bounds = array<i64: 2000, 128>}]} {
    %get3A = arith.constant 0 : index
    %get3A_0 = arith.constant 0 : index
    %get3A_1 = vector.load %arg1[%get3A, %get3A_0] : memref<2000x32xf32, #tpu.memory_space<vmem>>, vector<2000x32xf32>
    %get3A_2 = arith.constant 0 : index
    %get3A_3 = arith.constant 0 : index
    %get3A_4 = vector.load %arg2[%get3A_2, %get3A_3] : memref<128x32xf32, #tpu.memory_space<vmem>>, vector<128x32xf32>
    %dot_general3A = arith.constant dense<0.000000e+00> : vector<2000x128xf32>
    %dot_general3A_5 = tpu.matmul %get3A_1, %get3A_4, %dot_general3A {dimension_numbers = #tpu.dot_dimension_numbers<[1], [1], [0], [0], [0, 0, 1, 0], [], []>, transpose_lhs_hint = false} : vector<2000x32xf32>, vector<128x32xf32>, vector<2000x128xf32> -> vector<2000x128xf32>
    %get3A_6 = arith.constant 0 : index
    %get3A_7 = arith.constant 0 : index
    %get3A_8 = vector.load %arg3[%get3A_6, %get3A_7] : memref<1x128xf32, #tpu.memory_space<vmem>>, vector<1x128xf32>
    %add3A = vector.broadcast %get3A_8 : vector<1x128xf32> to vector<2000x128xf32>
    %add3A_9 = arith.addf %dot_general3A_5, %add3A : vector<2000x128xf32>
    %max3A = arith.constant 0.000000e+00 : f32
    %max3A_10 = vector.broadcast %max3A : f32 to vector<2000x128xf32>
    %max3A_11 = arith.maximumf %add3A_9, %max3A_10 : vector<2000x128xf32>
    %get3A_12 = arith.constant 0 : index
    %get3A_13 = arith.constant 0 : index
    %get3A_14 = vector.load %arg4[%get3A_12, %get3A_13] : memref<128x128xf32, #tpu.memory_space<vmem>>, vector<128x128xf32>
    %dot_general3A_15 = arith.constant dense<0.000000e+00> : vector<2000x128xf32>
    %dot_general3A_16 = tpu.matmul %max3A_11, %get3A_14, %dot_general3A_15 {dimension_numbers = #tpu.dot_dimension_numbers<[1], [1], [0], [0], [0, 0, 1, 0], [], []>, transpose_lhs_hint = false} : vector<2000x128xf32>, vector<128x128xf32>, vector<2000x128xf32> -> vector<2000x128xf32>
    %get3A_17 = arith.constant 0 : index
    %get3A_18 = arith.constant 0 : index
    %get3A_19 = vector.load %arg5[%get3A_17, %get3A_18] : memref<1x128xf32, #tpu.memory_space<vmem>>, vector<1x128xf32>
    %add3A_20 = vector.broadcast %get3A_19 : vector<1x128xf32> to vector<2000x128xf32>
    %add3A_21 = arith.addf %dot_general3A_16, %add3A_20 : vector<2000x128xf32>
    %swap3A = arith.constant 0 : index
    %swap3A_22 = arith.constant 0 : index
    %swap3A_23 = vector.load %arg6[%swap3A, %swap3A_22] : memref<2000x128xf32, #tpu.memory_space<vmem>>, vector<2000x128xf32>
    tpu.vector_store %arg6[%swap3A, %swap3A_22], %add3A_21 {strides = array<i32>} : memref<2000x128xf32, #tpu.memory_space<vmem>>, vector<2000x128xf32>,
    return
  }
  func.func @transform_0(%arg0: i32) -> (i32, i32) {
    %c0_i32 = arith.constant 0 : i32
    %c0_i32_0 = arith.constant 0 : i32
    return %arg0, %c0_i32 : i32, i32
  }
  func.func @transform_1(%arg0: i32) -> (i32, i32) {
    %c0_i32 = arith.constant 0 : i32
    %c0_i32_0 = arith.constant 0 : i32
    %c0_i32_1 = arith.constant 0 : i32
    return %c0_i32, %c0_i32_0 : i32, i32
  }
  func.func @transform_2(%arg0: i32) -> (i32, i32) {
    %c0_i32 = arith.constant 0 : i32
    %c0_i32_0 = arith.constant 0 : i32
    %c0_i32_1 = arith.constant 0 : i32
    return %c0_i32, %c0_i32_0 : i32, i32
  }
  func.func @transform_3(%arg0: i32) -> (i32, i32) {
    %c0_i32 = arith.constant 0 : i32
    %c0_i32_0 = arith.constant 0 : i32
    %c0_i32_1 = arith.constant 0 : i32
    return %c0_i32, %c0_i32_0 : i32, i32
  }
  func.func @transform_4(%arg0: i32) -> (i32, i32) {
    %c0_i32 = arith.constant 0 : i32
    %c0_i32_0 = arith.constant 0 : i32
    %c0_i32_1 = arith.constant 0 : i32
    return %c0_i32, %c0_i32_0 : i32, i32
  }
  func.func @transform_5(%arg0: i32) -> (i32, i32) {
    %c0_i32 = arith.constant 0 : i32
    %c0_i32_0 = arith.constant 0 : i32
    return %arg0, %c0_i32 : i32, i32
  }
}

module attributes {stable_mosaic.version = 14 : i64} {
  func.func @_node_encode_body(%arg0: memref<10000x128xf32, #tpu.memory_space<vmem>>, %arg1: memref<128x128xf32, #tpu.memory_space<vmem>>, %arg2: memref<1x128xf32, #tpu.memory_space<vmem>>, %arg3: memref<10000x128xf32, #tpu.memory_space<vmem>>) attributes {dimension_semantics = [], scalar_prefetch = 0 : i64, scratch_operands = 0 : i64, tpu.core_type = #tpu.core_type<tc>} {
    %get3A = arith.constant 0 : index
    %get3A_0 = arith.constant 0 : index
    %get3A_1 = vector.load %arg0[%get3A, %get3A_0] : memref<10000x128xf32, #tpu.memory_space<vmem>>, vector<10000x128xf32>
    %get3A_2 = arith.constant 0 : index
    %get3A_3 = arith.constant 0 : index
    %get3A_4 = vector.load %arg1[%get3A_2, %get3A_3] : memref<128x128xf32, #tpu.memory_space<vmem>>, vector<128x128xf32>
    %dot_general3A = arith.constant dense<0.000000e+00> : vector<10000x128xf32>
    %dot_general3A_5 = tpu.matmul %get3A_1, %get3A_4, %dot_general3A {dimension_numbers = #tpu.dot_dimension_numbers<[1], [1], [0], [0], [0, 0, 1, 0], [], []>, transpose_lhs_hint = false} : vector<10000x128xf32>, vector<128x128xf32>, vector<10000x128xf32> -> vector<10000x128xf32>
    %get3A_6 = arith.constant 0 : index
    %get3A_7 = arith.constant 0 : index
    %get3A_8 = vector.load %arg2[%get3A_6, %get3A_7] : memref<1x128xf32, #tpu.memory_space<vmem>>, vector<1x128xf32>
    %add3A = vector.broadcast %get3A_8 : vector<1x128xf32> to vector<10000x128xf32>
    %add3A_9 = arith.addf %dot_general3A_5, %add3A : vector<10000x128xf32>
    %max3A = arith.constant 0.000000e+00 : f32
    %max3A_10 = vector.broadcast %max3A : f32 to vector<10000x128xf32>
    %max3A_11 = arith.maximumf %add3A_9, %max3A_10 : vector<10000x128xf32>
    %swap3A = arith.constant 0 : index
    %swap3A_12 = arith.constant 0 : index
    %swap3A_13 = vector.load %arg3[%swap3A, %swap3A_12] : memref<10000x128xf32, #tpu.memory_space<vmem>>, vector<10000x128xf32>
    tpu.vector_store %arg3[%swap3A, %swap3A_12], %max3A_11 {strides = array<i32>} : memref<10000x128xf32, #tpu.memory_space<vmem>>, vector<10000x128xf32>,
    return
  }
}

module attributes {stable_mosaic.version = 14 : i64} {
  func.func @_gru_body(%arg0: i32, %arg1: memref<2x2000x64xf32, #tpu.memory_space<vmem>>, %arg2: memref<2x2000x64xf32, #tpu.memory_space<vmem>>, %arg3: memref<2000x128xf32, #tpu.memory_space<vmem>>, %arg4: memref<64x64xf32, #tpu.memory_space<vmem>>, %arg5: memref<64x64xf32, #tpu.memory_space<vmem>>, %arg6: memref<64x64xf32, #tpu.memory_space<vmem>>, %arg7: memref<64x64xf32, #tpu.memory_space<vmem>>, %arg8: memref<1x64xf32, #tpu.memory_space<vmem>>, %arg9: memref<1x64xf32, #tpu.memory_space<vmem>>, %arg10: memref<1x64xf32, #tpu.memory_space<vmem>>, %arg11: memref<64x64xf32, #tpu.memory_space<vmem>>, %arg12: memref<64x64xf32, #tpu.memory_space<vmem>>, %arg13: memref<64x64xf32, #tpu.memory_space<vmem>>, %arg14: memref<1x64xf32, #tpu.memory_space<vmem>>, %arg15: memref<1x64xf32, #tpu.memory_space<vmem>>, %arg16: memref<1x64xf32, #tpu.memory_space<vmem>>, %arg17: memref<2000x128xf32, #tpu.memory_space<vmem>>) attributes {dimension_semantics = [#tpu.dimension_semantics<arbitrary>], iteration_bounds = array<i64: 5>, scalar_prefetch = 0 : i64, scratch_operands = 0 : i64, tpu.core_type = #tpu.core_type<tc>, window_params = [{transform_indices = @transform_0, window_bounds = array<i64: 2, 2000, 64>}, {transform_indices = @transform_1, window_bounds = array<i64: 2, 2000, 64>}, {transform_indices = @transform_2, window_bounds = array<i64: 2000, 128>}, {pipeline_mode = #tpu.pipeline_mode<synchronous>, transform_indices = @transform_3, window_bounds = array<i64: 64, 64>}, {pipeline_mode = #tpu.pipeline_mode<synchronous>, transform_indices = @transform_4, window_bounds = array<i64: 64, 64>}, {pipeline_mode = #tpu.pipeline_mode<synchronous>, transform_indices = @transform_5, window_bounds = array<i64: 64, 64>}, {pipeline_mode = #tpu.pipeline_mode<synchronous>, transform_indices = @transform_6, window_bounds = array<i64: 64, 64>}, {pipeline_mode = #tpu.pipeline_mode<synchronous>, transform_indices = @transform_7, window_bounds = array<i64: 1, 64>}, {pipeline_mode = #tpu.pipeline_mode<synchronous>, transform_indices = @transform_8, window_bounds = array<i64: 1, 64>}, {pipeline_mode = #tpu.pipeline_mode<synchronous>, transform_indices = @transform_9, window_bounds = array<i64: 1, 64>}, {pipeline_mode = #tpu.pipeline_mode<synchronous>, transform_indices = @transform_10, window_bounds = array<i64: 64, 64>}, {pipeline_mode = #tpu.pipeline_mode<synchronous>, transform_indices = @transform_11, window_bounds = array<i64: 64, 64>}, {pipeline_mode = #tpu.pipeline_mode<synchronous>, transform_indices = @transform_12, window_bounds = array<i64: 64, 64>}, {pipeline_mode = #tpu.pipeline_mode<synchronous>, transform_indices = @transform_13, window_bounds = array<i64: 1, 64>}, {pipeline_mode = #tpu.pipeline_mode<synchronous>, transform_indices = @transform_14, window_bounds = array<i64: 1, 64>}, {pipeline_mode = #tpu.pipeline_mode<synchronous>, transform_indices = @transform_15, window_bounds = array<i64: 1, 64>}, {transform_indices = @transform_16, window_bounds = array<i64: 2000, 128>}]} {
    %get3A = arith.constant 0 : index
    %get3A_0 = arith.constant 0 : index
    %get3A_1 = arith.constant 0 : index
    %get3A_2 = vector.load %arg1[%get3A, %get3A_0, %get3A_1] : memref<2x2000x64xf32, #tpu.memory_space<vmem>>, vector<1x2000x64xf32>
    %get3A_3 = vector.shape_cast %get3A_2 : vector<1x2000x64xf32> to vector<2000x64xf32>
    %get3A_4 = arith.constant 1 : index
    %get3A_5 = arith.constant 0 : index
    %get3A_6 = arith.constant 0 : index
    %get3A_7 = vector.load %arg1[%get3A_4, %get3A_5, %get3A_6] : memref<2x2000x64xf32, #tpu.memory_space<vmem>>, vector<1x2000x64xf32>
    %get3A_8 = vector.shape_cast %get3A_7 : vector<1x2000x64xf32> to vector<2000x64xf32>
    %add3A = arith.addf %get3A_3, %get3A_8 : vector<2000x64xf32>
    %get3A_9 = arith.constant 0 : index
    %get3A_10 = arith.constant 0 : index
    %get3A_11 = arith.constant 0 : index
    %get3A_12 = vector.load %arg2[%get3A_9, %get3A_10, %get3A_11] : memref<2x2000x64xf32, #tpu.memory_space<vmem>>, vector<1x2000x64xf32>
    %get3A_13 = vector.shape_cast %get3A_12 : vector<1x2000x64xf32> to vector<2000x64xf32>
    %get3A_14 = arith.constant 1 : index
    %get3A_15 = arith.constant 0 : index
    %get3A_16 = arith.constant 0 : index
    %get3A_17 = vector.load %arg2[%get3A_14, %get3A_15, %get3A_16] : memref<2x2000x64xf32, #tpu.memory_space<vmem>>, vector<1x2000x64xf32>
    %get3A_18 = vector.shape_cast %get3A_17 : vector<1x2000x64xf32> to vector<2000x64xf32>
    %add3A_19 = arith.addf %get3A_13, %get3A_18 : vector<2000x64xf32>
    %get3A_20 = arith.constant 0 : index
    %get3A_21 = arith.constant 0 : index
    %get3A_22 = vector.load %arg3[%get3A_20, %get3A_21] : memref<2000x128xf32, #tpu.memory_space<vmem>>, vector<2000x64xf32>
    %get3A_23 = arith.constant 0 : index
    %get3A_24 = arith.constant 0 : index
    %get3A_25 = vector.load %arg4[%get3A_23, %get3A_24] : memref<64x64xf32, #tpu.memory_space<vmem>>, vector<64x64xf32>
    %dot_general3A = arith.constant dense<0.000000e+00> : vector<2000x64xf32>
    %dot_general3A_26 = tpu.matmul %add3A, %get3A_25, %dot_general3A {dimension_numbers = #tpu.dot_dimension_numbers<[1], [1], [0], [0], [0, 0, 1, 0], [], []>, transpose_lhs_hint = false} : vector<2000x64xf32>, vector<64x64xf32>, vector<2000x64xf32> -> vector<2000x64xf32>
    %add3A_27 = arith.addf %dot_general3A_26, %add3A_19 : vector<2000x64xf32>
    %get3A_28 = arith.constant 0 : index
    %get3A_29 = arith.constant 0 : index
    %get3A_30 = vector.load %arg5[%get3A_28, %get3A_29] : memref<64x64xf32, #tpu.memory_space<vmem>>, vector<64x64xf32>
    %dot_general3A_31 = arith.constant dense<0.000000e+00> : vector<2000x64xf32>
    %dot_general3A_32 = tpu.matmul %add3A_27, %get3A_30, %dot_general3A_31 {dimension_numbers = #tpu.dot_dimension_numbers<[1], [1], [0], [0], [0, 0, 1, 0], [], []>, transpose_lhs_hint = false} : vector<2000x64xf32>, vector<64x64xf32>, vector<2000x64xf32> -> vector<2000x64xf32>
    %get3A_33 = arith.constant 0 : index
    %get3A_34 = arith.constant 0 : index
    %get3A_35 = vector.load %arg8[%get3A_33, %get3A_34] : memref<1x64xf32, #tpu.memory_space<vmem>>, vector<1x64xf32>
    %add3A_36 = vector.broadcast %get3A_35 : vector<1x64xf32> to vector<2000x64xf32>
    %add3A_37 = arith.addf %dot_general3A_32, %add3A_36 : vector<2000x64xf32>
    %get3A_38 = arith.constant 0 : index
    %get3A_39 = arith.constant 0 : index
    %get3A_40 = vector.load %arg6[%get3A_38, %get3A_39] : memref<64x64xf32, #tpu.memory_space<vmem>>, vector<64x64xf32>
    %dot_general3A_41 = arith.constant dense<0.000000e+00> : vector<2000x64xf32>
    %dot_general3A_42 = tpu.matmul %add3A_27, %get3A_40, %dot_general3A_41 {dimension_numbers = #tpu.dot_dimension_numbers<[1], [1], [0], [0], [0, 0, 1, 0], [], []>, transpose_lhs_hint = false} : vector<2000x64xf32>, vector<64x64xf32>, vector<2000x64xf32> -> vector<2000x64xf32>
    %get3A_43 = arith.constant 0 : index
    %get3A_44 = arith.constant 0 : index
    %get3A_45 = vector.load %arg9[%get3A_43, %get3A_44] : memref<1x64xf32, #tpu.memory_space<vmem>>, vector<1x64xf32>
    %add3A_46 = vector.broadcast %get3A_45 : vector<1x64xf32> to vector<2000x64xf32>
    %add3A_47 = arith.addf %dot_general3A_42, %add3A_46 : vector<2000x64xf32>
    %get3A_48 = arith.constant 0 : index
    %get3A_49 = arith.constant 0 : index
    %get3A_50 = vector.load %arg7[%get3A_48, %get3A_49] : memref<64x64xf32, #tpu.memory_space<vmem>>, vector<64x64xf32>
    %dot_general3A_51 = arith.constant dense<0.000000e+00> : vector<2000x64xf32>
    %dot_general3A_52 = tpu.matmul %add3A_27, %get3A_50, %dot_general3A_51 {dimension_numbers = #tpu.dot_dimension_numbers<[1], [1], [0], [0], [0, 0, 1, 0], [], []>, transpose_lhs_hint = false} : vector<2000x64xf32>, vector<64x64xf32>, vector<2000x64xf32> -> vector<2000x64xf32>
    %get3A_53 = arith.constant 0 : index
    %get3A_54 = arith.constant 0 : index
    %get3A_55 = vector.load %arg10[%get3A_53, %get3A_54] : memref<1x64xf32, #tpu.memory_space<vmem>>, vector<1x64xf32>
    %add3A_56 = vector.broadcast %get3A_55 : vector<1x64xf32> to vector<2000x64xf32>
    %add3A_57 = arith.addf %dot_general3A_52, %add3A_56 : vector<2000x64xf32>
    %get3A_58 = arith.constant 0 : index
    %get3A_59 = arith.constant 0 : index
    %get3A_60 = vector.load %arg11[%get3A_58, %get3A_59] : memref<64x64xf32, #tpu.memory_space<vmem>>, vector<64x64xf32>
    %dot_general3A_61 = arith.constant dense<0.000000e+00> : vector<2000x64xf32>
    %dot_general3A_62 = tpu.matmul %get3A_22, %get3A_60, %dot_general3A_61 {dimension_numbers = #tpu.dot_dimension_numbers<[1], [1], [0], [0], [0, 0, 1, 0], [], []>, transpose_lhs_hint = false} : vector<2000x64xf32>, vector<64x64xf32>, vector<2000x64xf32> -> vector<2000x64xf32>
    %get3A_63 = arith.constant 0 : index
    %get3A_64 = arith.constant 0 : index
    %get3A_65 = vector.load %arg14[%get3A_63, %get3A_64] : memref<1x64xf32, #tpu.memory_space<vmem>>, vector<1x64xf32>
    %add3A_66 = vector.broadcast %get3A_65 : vector<1x64xf32> to vector<2000x64xf32>
    %add3A_67 = arith.addf %dot_general3A_62, %add3A_66 : vector<2000x64xf32>
    %get3A_68 = arith.constant 0 : index
    %get3A_69 = arith.constant 0 : index
    %get3A_70 = vector.load %arg12[%get3A_68, %get3A_69] : memref<64x64xf32, #tpu.memory_space<vmem>>, vector<64x64xf32>
    %dot_general3A_71 = arith.constant dense<0.000000e+00> : vector<2000x64xf32>
    %dot_general3A_72 = tpu.matmul %get3A_22, %get3A_70, %dot_general3A_71 {dimension_numbers = #tpu.dot_dimension_numbers<[1], [1], [0], [0], [0, 0, 1, 0], [], []>, transpose_lhs_hint = false} : vector<2000x64xf32>, vector<64x64xf32>, vector<2000x64xf32> -> vector<2000x64xf32>
    %get3A_73 = arith.constant 0 : index
    %get3A_74 = arith.constant 0 : index
    %get3A_75 = vector.load %arg15[%get3A_73, %get3A_74] : memref<1x64xf32, #tpu.memory_space<vmem>>, vector<1x64xf32>
    %add3A_76 = vector.broadcast %get3A_75 : vector<1x64xf32> to vector<2000x64xf32>
    %add3A_77 = arith.addf %dot_general3A_72, %add3A_76 : vector<2000x64xf32>
    %get3A_78 = arith.constant 0 : index
    %get3A_79 = arith.constant 0 : index
    %get3A_80 = vector.load %arg13[%get3A_78, %get3A_79] : memref<64x64xf32, #tpu.memory_space<vmem>>, vector<64x64xf32>
    %dot_general3A_81 = arith.constant dense<0.000000e+00> : vector<2000x64xf32>
    %dot_general3A_82 = tpu.matmul %get3A_22, %get3A_80, %dot_general3A_81 {dimension_numbers = #tpu.dot_dimension_numbers<[1], [1], [0], [0], [0, 0, 1, 0], [], []>, transpose_lhs_hint = false} : vector<2000x64xf32>, vector<64x64xf32>, vector<2000x64xf32> -> vector<2000x64xf32>
    %get3A_83 = arith.constant 0 : index
    %get3A_84 = arith.constant 0 : index
    %get3A_85 = vector.load %arg16[%get3A_83, %get3A_84] : memref<1x64xf32, #tpu.memory_space<vmem>>, vector<1x64xf32>
    %add3A_86 = vector.broadcast %get3A_85 : vector<1x64xf32> to vector<2000x64xf32>
    %add3A_87 = arith.addf %dot_general3A_82, %add3A_86 : vector<2000x64xf32>
    %add3A_88 = arith.addf %add3A_37, %add3A_67 : vector<2000x64xf32>
    %logistic3A = arith.negf %add3A_88 : vector<2000x64xf32>
    %logistic3A_89 = math.exp %logistic3A : vector<2000x64xf32>
    %logistic3A_90 = arith.constant 1.000000e+00 : f32
    %logistic3A_91 = vector.broadcast %logistic3A_90 : f32 to vector<2000x64xf32>
    %logistic3A_92 = arith.addf %logistic3A_91, %logistic3A_89 : vector<2000x64xf32>
    %logistic3A_93 = arith.divf %logistic3A_91, %logistic3A_92 : vector<2000x64xf32>
    %add3A_94 = arith.addf %add3A_47, %add3A_77 : vector<2000x64xf32>
    %logistic3A_95 = arith.negf %add3A_94 : vector<2000x64xf32>
    %logistic3A_96 = math.exp %logistic3A_95 : vector<2000x64xf32>
    %logistic3A_97 = arith.constant 1.000000e+00 : f32
    %logistic3A_98 = vector.broadcast %logistic3A_97 : f32 to vector<2000x64xf32>
    %logistic3A_99 = arith.addf %logistic3A_98, %logistic3A_96 : vector<2000x64xf32>
    %logistic3A_100 = arith.divf %logistic3A_98, %logistic3A_99 : vector<2000x64xf32>
    %mul3A = arith.mulf %logistic3A_93, %add3A_87 : vector<2000x64xf32>
    %add3A_101 = arith.addf %add3A_57, %mul3A : vector<2000x64xf32>
    %tanh3A = math.tanh %add3A_101 : vector<2000x64xf32>
    %sub3A = arith.constant 1.000000e+00 : f32
    %sub3A_102 = vector.broadcast %sub3A : f32 to vector<2000x64xf32>
    %sub3A_103 = arith.subf %sub3A_102, %logistic3A_100 : vector<2000x64xf32>
    %mul3A_104 = arith.mulf %sub3A_103, %tanh3A : vector<2000x64xf32>
    %mul3A_105 = arith.mulf %logistic3A_100, %get3A_22 : vector<2000x64xf32>
    %add3A_106 = arith.addf %mul3A_104, %mul3A_105 : vector<2000x64xf32>
    %swap3A = arith.constant 0 : index
    %swap3A_107 = arith.constant 0 : index
    %swap3A_108 = vector.load %arg17[%swap3A, %swap3A_107] : memref<2000x128xf32, #tpu.memory_space<vmem>>, vector<2000x64xf32>
    tpu.vector_store %arg17[%swap3A, %swap3A_107], %add3A_106 {strides = array<i32>} : memref<2000x128xf32, #tpu.memory_space<vmem>>, vector<2000x64xf32>,
    %broadcast_in_dim3A = arith.constant 0.000000e+00 : f32
    %broadcast_in_dim3A_109 = vector.broadcast %broadcast_in_dim3A : f32 to vector<2000x64xf32>
    %swap3A_110 = arith.constant 0 : index
    %swap3A_111 = arith.constant 64 : index
    %swap3A_112 = vector.load %arg17[%swap3A_110, %swap3A_111] : memref<2000x128xf32, #tpu.memory_space<vmem>>, vector<2000x64xf32>
    tpu.vector_store %arg17[%swap3A_110, %swap3A_111], %broadcast_in_dim3A_109 {strides = array<i32>} : memref<2000x128xf32, #tpu.memory_space<vmem>>, vector<2000x64xf32>,
    return
  }
  func.func @transform_0(%arg0: i32) -> (i32, i32, i32) {
    %c0_i32 = arith.constant 0 : i32
    %c0_i32_0 = arith.constant 0 : i32
    %c0_i32_1 = arith.constant 0 : i32
    return %c0_i32, %arg0, %c0_i32_0 : i32, i32, i32
  }
  func.func @transform_1(%arg0: i32) -> (i32, i32, i32) {
    %c0_i32 = arith.constant 0 : i32
    %c0_i32_0 = arith.constant 0 : i32
    %c0_i32_1 = arith.constant 0 : i32
    return %c0_i32, %arg0, %c0_i32_0 : i32, i32, i32
  }
  func.func @transform_2(%arg0: i32) -> (i32, i32) {
    %c0_i32 = arith.constant 0 : i32
    %c0_i32_0 = arith.constant 0 : i32
    return %arg0, %c0_i32 : i32, i32
  }
  func.func @transform_3(%arg0: i32) -> (i32, i32) {
    %c0_i32 = arith.constant 0 : i32
    %c0_i32_0 = arith.constant 0 : i32
    %c0_i32_1 = arith.constant 0 : i32
    return %c0_i32, %c0_i32_0 : i32, i32
  }
  func.func @transform_4(%arg0: i32) -> (i32, i32) {
    %c0_i32 = arith.constant 0 : i32
    %c0_i32_0 = arith.constant 0 : i32
    %c0_i32_1 = arith.constant 0 : i32
    return %c0_i32, %c0_i32_0 : i32, i32
  }
  func.func @transform_5(%arg0: i32) -> (i32, i32) {
    %c0_i32 = arith.constant 0 : i32
    %c0_i32_0 = arith.constant 0 : i32
    %c0_i32_1 = arith.constant 0 : i32
    return %c0_i32, %c0_i32_0 : i32, i32
  }
  func.func @transform_6(%arg0: i32) -> (i32, i32) {
    %c0_i32 = arith.constant 0 : i32
    %c0_i32_0 = arith.constant 0 : i32
    %c0_i32_1 = arith.constant 0 : i32
    return %c0_i32, %c0_i32_0 : i32, i32
  }
  func.func @transform_7(%arg0: i32) -> (i32, i32) {
    %c0_i32 = arith.constant 0 : i32
    %c0_i32_0 = arith.constant 0 : i32
    %c0_i32_1 = arith.constant 0 : i32
    return %c0_i32, %c0_i32_0 : i32, i32
  }
  func.func @transform_8(%arg0: i32) -> (i32, i32) {
    %c0_i32 = arith.constant 0 : i32
    %c0_i32_0 = arith.constant 0 : i32
    %c0_i32_1 = arith.constant 0 : i32
    return %c0_i32, %c0_i32_0 : i32, i32
  }
  func.func @transform_9(%arg0: i32) -> (i32, i32) {
    %c0_i32 = arith.constant 0 : i32
    %c0_i32_0 = arith.constant 0 : i32
    %c0_i32_1 = arith.constant 0 : i32
    return %c0_i32, %c0_i32_0 : i32, i32
  }
  func.func @transform_10(%arg0: i32) -> (i32, i32) {
    %c0_i32 = arith.constant 0 : i32
    %c0_i32_0 = arith.constant 0 : i32
    %c0_i32_1 = arith.constant 0 : i32
    return %c0_i32, %c0_i32_0 : i32, i32
  }
  func.func @transform_11(%arg0: i32) -> (i32, i32) {
    %c0_i32 = arith.constant 0 : i32
    %c0_i32_0 = arith.constant 0 : i32
    %c0_i32_1 = arith.constant 0 : i32
    return %c0_i32, %c0_i32_0 : i32, i32
  }
  func.func @transform_12(%arg0: i32) -> (i32, i32) {
    %c0_i32 = arith.constant 0 : i32
    %c0_i32_0 = arith.constant 0 : i32
    %c0_i32_1 = arith.constant 0 : i32
    return %c0_i32, %c0_i32_0 : i32, i32
  }
  func.func @transform_13(%arg0: i32) -> (i32, i32) {
    %c0_i32 = arith.constant 0 : i32
    %c0_i32_0 = arith.constant 0 : i32
    %c0_i32_1 = arith.constant 0 : i32
    return %c0_i32, %c0_i32_0 : i32, i32
  }
  func.func @transform_14(%arg0: i32) -> (i32, i32) {
    %c0_i32 = arith.constant 0 : i32
    %c0_i32_0 = arith.constant 0 : i32
    %c0_i32_1 = arith.constant 0 : i32
    return %c0_i32, %c0_i32_0 : i32, i32
  }
  func.func @transform_15(%arg0: i32) -> (i32, i32) {
    %c0_i32 = arith.constant 0 : i32
    %c0_i32_0 = arith.constant 0 : i32
    %c0_i32_1 = arith.constant 0 : i32
    return %c0_i32, %c0_i32_0 : i32, i32
  }
  func.func @transform_16(%arg0: i32) -> (i32, i32) {
    %c0_i32 = arith.constant 0 : i32
    %c0_i32_0 = arith.constant 0 : i32
    return %arg0, %c0_i32 : i32, i32
  }
}

module attributes {stable_mosaic.version = 14 : i64} {
  func.func @_head_body(%arg0: memref<2048x128xf32, #tpu.memory_space<vmem>>, %arg1: memref<32x128xf32, #tpu.memory_space<vmem>>, %arg2: memref<1x32xf32, #tpu.memory_space<vmem>>, %arg3: memref<1x32xf32, #tpu.memory_space<vmem>>, %arg4: memref<1x32xf32, #tpu.memory_space<vmem>>, %arg5: memref<2048x1xf32, #tpu.memory_space<vmem>>) attributes {dimension_semantics = [], scalar_prefetch = 0 : i64, scratch_operands = 0 : i64, tpu.core_type = #tpu.core_type<tc>} {
    %get3A = arith.constant 0 : index
    %get3A_0 = arith.constant 0 : index
    %get3A_1 = vector.load %arg0[%get3A, %get3A_0] : memref<2048x128xf32, #tpu.memory_space<vmem>>, vector<2048x128xf32>
    %get3A_2 = arith.constant 0 : index
    %get3A_3 = arith.constant 0 : index
    %get3A_4 = vector.load %arg1[%get3A_2, %get3A_3] : memref<32x128xf32, #tpu.memory_space<vmem>>, vector<32x128xf32>
    %dot_general3A = arith.constant dense<0.000000e+00> : vector<2048x32xf32>
    %dot_general3A_5 = tpu.matmul %get3A_1, %get3A_4, %dot_general3A {dimension_numbers = #tpu.dot_dimension_numbers<[1], [1], [0], [0], [0, 0, 1, 0], [], []>, transpose_lhs_hint = false} : vector<2048x128xf32>, vector<32x128xf32>, vector<2048x32xf32> -> vector<2048x32xf32>
    %get3A_6 = arith.constant 0 : index
    %get3A_7 = arith.constant 0 : index
    %get3A_8 = vector.load %arg2[%get3A_6, %get3A_7] : memref<1x32xf32, #tpu.memory_space<vmem>>, vector<1x32xf32>
    %add3A = vector.broadcast %get3A_8 : vector<1x32xf32> to vector<2048x32xf32>
    %add3A_9 = arith.addf %dot_general3A_5, %add3A : vector<2048x32xf32>
    %max3A = arith.constant 0.000000e+00 : f32
    %max3A_10 = vector.broadcast %max3A : f32 to vector<2048x32xf32>
    %max3A_11 = arith.maximumf %add3A_9, %max3A_10 : vector<2048x32xf32>
    %get3A_12 = arith.constant 0 : index
    %get3A_13 = arith.constant 0 : index
    %get3A_14 = vector.load %arg3[%get3A_12, %get3A_13] : memref<1x32xf32, #tpu.memory_space<vmem>>, vector<1x32xf32>
    %mul3A = vector.broadcast %get3A_14 : vector<1x32xf32> to vector<2048x32xf32>
    %mul3A_15 = arith.mulf %max3A_11, %mul3A : vector<2048x32xf32>
    %get3A_16 = arith.constant 0 : index
    %get3A_17 = arith.constant 0 : index
    %get3A_18 = vector.load %arg4[%get3A_16, %get3A_17] : memref<1x32xf32, #tpu.memory_space<vmem>>, vector<1x32xf32>
    %add3A_19 = vector.broadcast %get3A_18 : vector<1x32xf32> to vector<2048x32xf32>
    %add3A_20 = arith.addf %mul3A_15, %add3A_19 : vector<2048x32xf32>
    %reduce_sum3A = arith.constant dense<0.000000e+00> : vector<2048xf32>
    %reduce_sum3A_21 = vector.multi_reduction <add>, %add3A_20, %reduce_sum3A [1] : vector<2048x32xf32> to vector<2048xf32>
    %broadcast_in_dim3A = vector.shape_cast %reduce_sum3A_21 : vector<2048xf32> to vector<2048x1xf32>
    %logistic3A = arith.negf %broadcast_in_dim3A : vector<2048x1xf32>
    %logistic3A_22 = math.exp %logistic3A : vector<2048x1xf32>
    %logistic3A_23 = arith.constant 1.000000e+00 : f32
    %logistic3A_24 = vector.broadcast %logistic3A_23 : f32 to vector<2048x1xf32>
    %logistic3A_25 = arith.addf %logistic3A_24, %logistic3A_22 : vector<2048x1xf32>
    %logistic3A_26 = arith.divf %logistic3A_24, %logistic3A_25 : vector<2048x1xf32>
    %swap3A = arith.constant 0 : index
    %swap3A_27 = arith.constant 0 : index
    %swap3A_28 = vector.load %arg5[%swap3A, %swap3A_27] : memref<2048x1xf32, #tpu.memory_space<vmem>>, vector<2048x1xf32>
    tpu.vector_store %arg5[%swap3A, %swap3A_27], %logistic3A_26 {strides = array<i32>} : memref<2048x1xf32, #tpu.memory_space<vmem>>, vector<2048x1xf32>,
    return
  }
}

</mosaic_0001>

<sc_bundles>
// kernel: kernel.11.cloned.1.call-start
scs
__scs_entry_jumppad:
0x0: {  	(pc) =	sbr.rel $0x88, $3  }
0x1: {  	(tag) =	ssettag $0x0;
	lr =	simm.s32 $0x1  }
0x2: {  	[smem:$0x3F8F] =	sst lr;
	_ =	strace $0xD0000000  }
0x3: {  	_ = 	snop  }
0x4: {  	_ = 	snop  }
0x5: {  	_ = 	snop  }
0x6: {  	_ = 	snop  }
0x7: {  	_ = 	snop  }
__scs_overlays_trampoline_lowered:
0x8: {  	[smem:$0x3F9E] =	sst s0  }
0x9: {  	[smem:$0x3F9F] =	sst s1  }
0xa: {  	[smem:$0x3FA0] =	sst s2  }
0xb: {  	[smem:$0x3FA1] =	sst s3  }
0xc: {  	[smem:$0x3FA2] =	sst s4  }
0xd: {  	[smem:$0x3FA3] =	sst s5  }
0xe: {  	[smem:$0x3FA4] =	sst s6  }
0xf: {  	[smem:$0x3FA5] =	sst s7  }
0x10: {  	[smem:$0x3FA6] =	sst s8  }
0x11: {  	[smem:$0x3FA7] =	sst s9;
	s0 =	simm.s32 @!p0 $0x0  }
0x12: {  	s1 =	sld [smem:$0x3F8D];
	s0 =	simm.s32 @p0 $0x1  }
0x13: {  	[smem:$0x3FA8] =	sst s0;
	s0 =	simm.s32 @!p1 $0x0  }
0x14: {  	s2 =	sld [smem:$0x3F8C];
	s0 =	simm.s32 @p1 $0x1  }
0x15: {  	[smem:$0x3FA9] =	sst s0;
	s0 =	simm.s32 @!p2 $0x0  }
0x16: {  	s3 =	sld [smem:$0x3FDB];
	s0 =	simm.s32 @p2 $0x1  }
0x17: {  	s4 =	simm.s32 $0x1BF5;
	[smem:$0x3FAB] =	sst s0  }
0x18: {  	s0 =	sld [smem:$0x3F8E];
	_ =	swait.ge [sflag:s4], $0x0  }
0x19: {  	s7 =	sld [smem:$0x3F8F]  }
0x1a: {  	s8 =	sadd.s32 $0xFFFFE003, lr  }
0x1b: {  	s9 =	sadd.s32 $0xFFFFFEF7, lr;
	s5 =	simm.s32 $0xFFFFFFFF;
	p2 =	slt.u32 s8, $0xFFFFF086  }
0x1c: {  	p1 =	slt.u32 s9, $0xF7A;
	s5 =	simm.s32 @!p2 $0x0  }
0x1d: {  	s5 =	simm.s32 @p1 $0x1;
	p0 =	seq.s32 s7, s2  }
0x1e: {  	s7 =	smul.u32 @!p0 $0xF7A, s2;
	p2 =	seq.s32 @!p0 s5, $0x0  }
0x1f: {  	s9 =	smul.u32 $0xF7A, s1;
	s8 =	simm.s32 @!p0 $0x1BF5;
	p2 =	por !p2, p0  }
0x20: {  	[sflag:s8] =	ssyncset.s32 @!p0 $0xFFFFF086;
	s6 =	sadd.s32 @!p0 s3, s7;
	s7 =	simm.s32 @!p0 $0x108  }
0x21: {  	s3 =	sadd.s32 s3, s9;
	s6 =	sadd.s32 @!p0 $0x88, s6;
	s7 =	simm.s32 @p2 $0x1082  }
0x22: {  	[simem:s7], [sflag:s8] =	dma.local @!p0 [hbm:s6], $0xF7A  }
0x23: {  	s9 =	sor.u32 $0xD0000000, s2;
	s6 =	simm.s32 $0x108;
	_ =	swait.ge @!p0 [sflag:s8], $0x0  }
0x24: {  	s3 =	sadd.s32 $0x88, s3;
	s6 =	simm.s32 @!p1 $0x1082;
	[sflag:s4] =	ssyncset.s32 $0xFFFFF086  }
0x25: {  	[simem:s6], [sflag:s4] =	dma.local [hbm:s3], $0xF7A  }
0x26: {  	[smem:$0x3F8F] =	sst s1;
	(tag) =	ssettag s2;
	_ =	strace s9  }
0x27: {  	s1 =	sld [smem:$0x3F9F]  }
0x28: {  	s2 =	sld [smem:$0x3FA0]  }
0x29: {  	s4 =	sld [smem:$0x3FA2]  }
0x2a: {  	p0 =	seq.s32 s5, $0x0;
	s5 =	sld [smem:$0x3FA3]  }
0x2b: {  	s6 =	sld [smem:$0x3FA4]  }
0x2c: {  	s7 =	sld [smem:$0x3FA5]  }
0x2d: {  	s3 =	simm.s32 $0x108;
	s8 =	sld [smem:$0x3FA6]  }
0x2e: {  	s3 =	simm.s32 @!p0 $0x1082;
	s9 =	sld [smem:$0x3FA7]  }
0x2f: {  	lr =	sadd.s32 s0, s3;
	s0 =	sld [smem:$0x3F9E]  }
0x30: {  	s3 =	sld [smem:$0x3FA1]  }
0x31: {  	[smem:$0x3FAA] =	sst s10  }
0x32: {  	s10 =	sld [smem:$0x3FA8];
	_ =	sdelay $0x3  }
0x33: {  	p0 =	seq.s32 s10, $0x1;
	s10 =	sld [smem:$0x3FAA];
	_ =	sdelay $0x3  }
0x34: {  	[smem:$0x3FAA] =	sst s10  }
0x35: {  	s10 =	sld [smem:$0x3FA9];
	_ =	sdelay $0x3  }
0x36: {  	p1 =	seq.s32 s10, $0x1;
	s10 =	sld [smem:$0x3FAA];
	_ =	sdelay $0x3  }
0x37: {  	[smem:$0x3FAA] =	sst s10  }
0x38: {  	s10 =	sld [smem:$0x3FAB]  }
0x39: {  	_ = 	snop;
	(pc) =	sbr.ind lr, $3  }
0x3a: {  	_ = 	snop  }
0x3b: {  	_ = 	snop  }
0x3c: {  	p2 =	seq.s32 s10, $0x1;
	s10 =	sld [smem:$0x3FAA]  }
0x3d: {  	_ =	shalt  }
0x3e: {  	_ =	shalt  }
0x3f: {  	_ =	shalt  }
0x40: {  	_ =	shalt  }
0x41: {  	_ =	shalt  }
0x42: {  	_ =	shalt  }
0x43: {  	_ =	shalt  }
0x44: {  	_ =	shalt  }
0x45: {  	_ =	shalt  }
0x46: {  	_ =	shalt  }
0x47: {  	_ =	shalt  }
0x48: {  	_ =	shalt  }
0x49: {  	_ =	shalt  }
0x4a: {  	_ =	shalt  }
0x4b: {  	_ =	shalt  }
0x4c: {  	_ =	shalt  }
0x4d: {  	_ =	shalt  }
0x4e: {  	_ =	shalt  }
0x4f: {  	_ =	shalt  }
0x50: {  	_ =	shalt  }
0x51: {  	_ =	shalt  }
0x52: {  	_ =	shalt  }
0x53: {  	_ =	shalt  }
0x54: {  	_ =	shalt  }
0x55: {  	_ =	shalt  }
0x56: {  	_ =	shalt  }
0x57: {  	_ =	shalt  }
0x58: {  	_ =	shalt  }
0x59: {  	_ =	shalt  }
0x5a: {  	_ =	shalt  }
0x5b: {  	_ =	shalt  }
0x5c: {  	_ =	shalt  }
0x5d: {  	_ =	shalt  }
0x5e: {  	_ =	shalt  }
0x5f: {  	_ =	shalt  }
0x60: {  	_ =	shalt  }
0x61: {  	_ =	shalt  }
0x62: {  	_ =	shalt  }
0x63: {  	_ =	shalt  }
0x64: {  	_ =	shalt  }
0x65: {  	_ =	shalt  }
0x66: {  	_ =	shalt  }
0x67: {  	_ =	shalt  }
0x68: {  	_ =	shalt  }
0x69: {  	_ =	shalt  }
0x6a: {  	_ =	shalt  }
0x6b: {  	_ =	shalt  }
0x6c: {  	_ =	shalt  }
0x6d: {  	_ =	shalt  }
0x6e: {  	_ =	shalt  }
0x6f: {  	_ =	shalt  }
0x70: {  	_ =	shalt  }
0x71: {  	_ =	shalt  }
0x72: {  	_ =	shalt  }
0x73: {  	_ =	shalt  }
0x74: {  	_ =	shalt  }
0x75: {  	_ =	shalt  }
0x76: {  	_ =	shalt  }
0x77: {  	_ =	shalt  }
0x78: {  	_ =	shalt  }
0x79: {  	_ =	shalt  }
0x7a: {  	_ =	shalt  }
0x7b: {  	_ =	shalt  }
0x7c: {  	_ =	shalt  }
0x7d: {  	_ =	shalt  }
0x7e: {  	_ =	shalt  }
0x7f: {  	_ =	shalt  }
0x80: {  	_ =	shalt  }
0x81: {  	_ =	shalt  }
0x82: {  	_ =	shalt  }
0x83: {  	_ =	shalt  }
0x84: {  	_ =	shalt  }
0x85: {  	_ =	shalt  }
0x86: {  	_ =	shalt  }
0x87: {  	_ =	shalt  }
.Lfunc_end0:
.L_simem_size_0:
called_computation_lowered:
.L_overlay_start_0:
0x88: {  	s2 =	sld [smem:$0x3FD9]  }
0x89: {  	s3 =	sld [smem:$0x3FFE];
	_ =	sdelay $0x1  }
0x8a: {  	s1 =	srdreg.scid  }
0x8b: {  	s0 =	sand.u32 $0x1, s1  }
0x8c: {  	s17 =	sshll.u32 s0, $0xA;
	s2 =	sadd.s32 s3, s2  }
0x8d: {  	s2 =	sadd.s32 s2, s17  }
0x8e: {  	[smem:$0x3FB6] =	sst s2  }
0x8f: {  	_ = 	snop  }
0x90: {  	(tm) =	ssettm $0x1  }
0x91: {  	s18 =	sld [smem:$0x3FFB];
	_ =	sdelay $0x3  }
0x92: {  	_ =	strace s18  }
0x93: {  	s2 =	sld [smem:$0x3FFC];
	_ =	sdelay $0x3  }
0x94: {  	_ =	strace s2  }
0x95: {  	s2 =	sld [smem:$0x3FFD];
	_ =	sdelay $0x3  }
0x96: {  	_ =	strace s2  }
0x97: {  	_ =	strace $0x8FFFFFFF  }
0x98: {  	s19 =	sld [smem:$0x3FDB];
	_ =	sdelay $0x1  }
0x99: {  	s20 =	simm.s32 $_scs_section_size  }
0x9a: {  	s4 =	simm.s32 $_size__tile_overlayer_lowered;
	s5 =	simm.s32 $_tile_overlayer_lowered  }
0x9b: {  	s6 =	simm.s32 $0x1BFF;
	s21 =	sshll.u32 s5, $0x1;
	s3 =	sadd.s32 s20, s19  }
0x9c: {  	s22 =	simm.s32 $0x0;
	s4 =	sshll.u32 s4, $0x1;
	s5 =	sadd.s32 s21, s3  }
0x9d: {  	[timem:s22], [sflag:s6] =	dma.local [hbm:s5], s4  }
0x9e: {  	_ =	swait.ge [sflag:s6], s4  }
0x9f: {  	s4 =	ssub.s32 $0x0, s4;
	[sflag:s6] =	ssyncset.done $0x0  }
0xa0: {  	[sflag:s6] =	ssyncadd.s32 s4;
	_ =	sdelay $0x1  }
0xa1: {  	s23 =	simm.s32 $0x1B8B  }
0xa2: {  	_ =	swait.ge [sflag:s23], $0x1  }
0xa3: {  	[sflag:s23] =	ssyncset.done $0x0  }
0xa4: {  	[sflag:s23] =	ssyncadd.s32 $0xFFFFFFFF  }
0xa5: {  	s4 =	sld [smem:$0x0]  }
0xa6: {  	s5 =	sand.u32 $0xFFFFFFFE, s1  }
0xa7: {  	p0 =	sne.s32 s1, s5  }
0xa8: {  	s5 =	sshll.u32 @p0 s5, $0xE  }
0xa9: {  	s5 =	sadd.s32 @p0 $0x11B8D, s5;
	s6 =	sshll.u32 @p0 s4, $0x11  }
0xaa: {  	s5 =	sor.u32 @p0 s6, s5  }
0xab: {  	[sflag:s5] =	ssyncadd.remote.s32 @p0 $0x1;
	_ =	sdelay $0x1  }
0xac: {  	s5 =	simm.s32 @p0 $0x1B8D  }
0xad: {  	_ =	swait.eq @p0 [sflag:s5], $0x1  }
0xae: {  	[sflag:s5] =	ssyncadd.s32 @p0 $0xFFFFFFFF  }
0xaf: {  	s6 =	sshll.u32 @!p0 s1, $0xE  }
0xb0: {  	s6 =	sor.u32 @!p0 $0x4000, s6;
	s5 =	simm.s32 @!p0 $0x1B8D  }
0xb1: {  	s4 =	sshll.u32 @!p0 s4, $0x11;
	s6 =	sadd.s32 @!p0 $0x11B8D, s6;
	_ =	swait.eq @!p0 [sflag:s5], $0x1  }
0xb2: {  	s4 =	sor.u32 @!p0 s4, s6;
	[sflag:s5] =	ssyncadd.s32 @!p0 $0xFFFFFFFF  }
0xb3: {  	s25 =	simm.s32 $0x1B8E;
	s24 =	sld [smem:$0x3FFE];
	[sflag:s4] =	ssyncadd.remote.s32 @!p0 $0x1  }
0xb4: {  	s26 =	simm.s32 $execute0_lowered;
	[smem:$0x3FD2] =	sst s25  }
0xb5: {  	s5 =	sshll.u32 s26, $0x1;
	_ =	strace $0x80000049;
	[dreg:$0x1] =	wrdreg $0xFFFFFFFF  }
0xb6: {  	s28 =	simm.s32 $_size_execute0_lowered;
	s3 =	sadd.s32 s3, s5;
	[dreg:$0x0] =	wrdreg $0x0  }
0xb7: {  	s5 =	sshll.u32 s28, $0x1;
	[dreg:$0x2] =	wrdreg s3  }
0xb8: {  	[dreg:$0x3] =	wrdreg s5  }
0xb9: {  	[dreg:$0x4] =	wrdreg $0xC0  }
0xba: {  	_ =	task [dreg:s22], $0x5FFFF  }
0xbb: {  	[dreg:$0x1] =	wrdreg $0xFFFFFFFF  }
0xbc: {  	[dreg:$0x0] =	wrdreg $0x60  }
0xbd: {  	[dreg:$0x2] =	wrdreg s24  }
0xbe: {  	[dreg:$0x3] =	wrdreg $0x76200  }
0xbf: {  	[dreg:$0x4] =	wrdreg $0x9  }
0xc0: {  	_ =	task.clear_ibuf [dreg:s22], $0x5FFFF;
	_ =	strace $0x90000049  }
0xc1: {  	s29 =	simm.s32 $0x9;
	_ =	strace $0x8000004B  }
0xc2: {  	_ =	swait.ge [sflag:s29], $0x1  }
0xc3: {  	[sflag:s29] =	ssyncadd.s32 $0xFFFFFFFF  }
0xc4: {  	_ =	strace $0x9000004B  }
0xc5: {  	_ =	sfence  }
0xc6: {  	s30 =	sld [smem:$0x0];
	_ =	sdelay $0x2  }
0xc7: {  	s31 =	sshll.u32 s1, $0xD;
	s1 =	sshrl.u32 s1, $0x2  }
0xc8: {  	s4 =	sand.u32 $0x4000, s31;
	s1 =	sadd.s32 s1, s30  }
0xc9: {  	s0 =	sor.u32 s4, s0;
	s1 =	sshll.u32 s1, $0x11  }
0xca: {  	s0 =	sor.u32 s1, s0  }
0xcb: {  	s0 =	sadd.s32 $0x8F2B, s0  }
0xcc: {  	[sflag:s0] =	ssyncadd.remote.s32 $0x1  }
0xcd: {  	_ =	sfence.sel $0xFFFF  }
0xce: {  	[dreg:$0x0] =	wrdreg $0xFFFFFFFF;
	(pc) =	sbr.abs _section_cstart, $3  }
0xcf: {  	[dreg:$0x1] =	wrdreg $0xFFFFFFFF  }
0xd0: {  	_ =	task.clear_ibuf [dreg:s22], $0x2FFFF;
	_ =	strace $0x9FFFFFFF  }
0xd1: {  	(tm) =	ssettm $0x7FFFFFFF  }
tec
execute0_lowered:
.L_overlay_start_1:
0x0: {  	(tag) =	ssettag $0x1  }
0x1: {  	s6 =	rddreg [dreg:$0x0]  }
0x2: {  	s2 =	rddreg [dreg:$0x1]  }
0x3: {  	s0 =	rddreg [dreg:$0x2]  }
0x4: {  	s4 =	srdreg.scid;
	s1 =	stileid.u32  }
0x5: {  	s3 =	simm.s32 $0x0;
	s14 =	simm.s32 $0x4E20;
	s15 =	simm.s32 $0x6220  }
0x6: {  	s16 =	simm.s32 $0x1;
	s17 =	simm.s32 $0x2;
	s18 =	simm.s32 $0x2760  }
0x7: {  	s19 =	simm.s32 $0x3;
	s20 =	simm.s32 $0x4;
	s21 =	simm.s32 $0x26C0  }
0x8: {  	s22 =	simm.s32 $0x4DD0;
	s5 =	sand.u32 $0x1, s4;
	s28 =	sshll.u32 s1, $0x1  }
0x9: {  	[smem:$0x7FF] =	sst s3;
	s10 =	smul.u32 $0xA000, s1;
	s31 =	sshll.u32 s1, $0x6  }
0xa: {  	s4 =	sor.u32 s5, s28;
	_ =	strace $0x8000004A;
	s8 =	smul.u32 $0x14000, s5  }
0xb: {  	s29 =	ssub.s32 $0x2, s5;
	s5 =	sadd.s32 $0x288400, s6;
	s7 =	smul.u32 $0x4E2, s4  }
0xc: {  	s4 =	sadd.s32 $0x2B1800, s6;
	s30 =	sshrl.u32 s29, $0x1;
	s13 =	sadd.s32 s10, s2  }
0xd: {  	s24 =	sshrl.u32 s10, $0x3;
	s11 =	sadd.s32 s8, s6;
	s12 =	ssub.s32 s29, s30  }
0xe: {  	s10 =	sshrl.u32 s13, $0x3;
	s13 =	simm.s32 $0x50;
	s9 =	sadd.s32 s7, s6  }
0xf: {  	s6 =	sor.u32 $0x1C05, s31;
	s23 =	sadd.s32 $0x2C5200, s11;
	s11 =	simm.s32 $0x5  }
0x10: {  	s7 =	sadd.s32 $0xD600, s9;
	s8 =	sadd.s32 $0x3800, s9;
	s9 =	smax.u32 s12, $0x1  }
0x11: {  	s12 =	simm.s32 $0x2710;
	s23 =	sadd.s32 s24, s23;
	s24 =	simm.s32 $0x0  }
.LBB2_1:
0x12: {  	[spmem:s10], [sflag:s6] =	dma.local [hbm:s5], $0x1400  }
0x13: {  	_ =	swait.ge [sflag:s11], $0x1400  }
0x14: {  	[sflag:s11] =	ssyncset.done $0x0  }
0x15: {  	[sflag:s11] =	ssyncadd.s32 $0xFFFFEC00  }
0x16: {  	[bflag:$0x0] =	sbarrier.arrive $0xFFFF  }
0x17: {  	[tilespmem:s3], [sflag:$0x5] =	stream.linear.gather [hbm4b:s7+s3], $0x2710, $0x38;
	[tilespmem:$0x11620] =	vst v63  }
0x18: {  	_ =	swait.ge [sflag:s11], $0x2710  }
0x19: {  	[sflag:s11] =	ssyncset.done $0x0  }
0x1a: {  	[sflag:s11] =	ssyncadd.s32 $0xFFFFD8F0  }
0x1b: {  	[tilespmem:s12], [sflag:$0x5] =	stream.linear.gather [hbm4b:s8+s3], $0x2710, $0x38;
	[tilespmem:$0x11620] =	vst v63  }
0x1c: {  	_ =	swait.ge [sflag:s11], $0x2710  }
0x1d: {  	[sflag:s11] =	ssyncset.done $0x0  }
0x1e: {  	[sflag:s11] =	ssyncadd.s32 $0xFFFFD8F0  }
0x1f: {  	[tilespmem:s14], [sflag:$0x1] =	stream.indirect.gather [hbm4b:s4+s13], $0x40, s3, s13, $0xb8;
	[tilespmem:$0x11620] =	vst v63  }
0x20: {  	_ = 	snop  }
0x21: {  	[tilespmem:s15], [sflag:$0x2] =	stream.indirect.gather [hbm4b:s4+s13], $0x40, s13, s13, $0xb8;
	[tilespmem:$0x11620] =	vst v63  }
0x22: {  	_ =	swait.ge [sflag:s16], $0x1400  }
0x23: {  	[sflag:s16] =	ssyncset.done $0x0  }
0x24: {  	[sflag:s16] =	ssyncadd.s32 $0xFFFFEC00  }
0x25: {  	[spmem:s2] =	stream.indirect.scatter.add.f32 [tilespmem:s14], [sflag:$0x3], $0x40, s12, s13, $0xb8;
	[tilespmem:$0x11620] =	vst v63  }
0x26: {  	_ =	swait.ge [sflag:s17], $0x1400  }
0x27: {  	[sflag:s17] =	ssyncset.done $0x0  }
0x28: {  	[sflag:s17] =	ssyncadd.s32 $0xFFFFEC00  }
0x29: {  	[spmem:s2] =	stream.indirect.scatter.add.f32 [tilespmem:s15], [sflag:$0x4], $0x40, s18, s13, $0xb8;
	[tilespmem:$0x11620] =	vst v63  }
0x2a: {  	_ =	swait.ge [sflag:s19], $0x1400  }
0x2b: {  	[sflag:s19] =	ssyncset.done $0x0  }
0x2c: {  	[sflag:s19] =	ssyncadd.s32 $0xFFFFEC00  }
0x2d: {  	_ =	swait.ge [sflag:s20], $0x1400  }
0x2e: {  	[sflag:s20] =	ssyncset.done $0x0  }
0x2f: {  	s25 =	simm.s32 $0xA0;
	[sflag:s20] =	ssyncadd.s32 $0xFFFFEC00  }
0x30: {  	[tilespmem:s14], [sflag:$0x1] =	stream.indirect.gather [hbm4b:s4+s13], $0x40, s25, s13, $0xb8;
	[tilespmem:$0x11620] =	vst v63  }
0x31: {  	s30 =	simm.s32 $0xF0  }
0x32: {  	[tilespmem:s15], [sflag:$0x2] =	stream.indirect.gather [hbm4b:s4+s13], $0x40, s30, s13, $0xb8;
	[tilespmem:$0x11620] =	vst v63  }
0x33: {  	_ =	swait.ge [sflag:s16], $0x1400  }
0x34: {  	[sflag:s16] =	ssyncset.done $0x0  }
0x35: {  	s31 =	simm.s32 $0x27B0;
	[sflag:s16] =	ssyncadd.s32 $0xFFFFEC00  }
0x36: {  	[spmem:s2] =	stream.indirect.scatter.add.f32 [tilespmem:s14], [sflag:$0x3], $0x40, s31, s13, $0xb8;
	[tilespmem:$0x11620] =	vst v63  }
0x37: {  	_ =	swait.ge [sflag:s17], $0x1400  }
0x38: {  	[sflag:s17] =	ssyncset.done $0x0  }
0x39: {  	s26 =	simm.s32 $0x2800;
	s25 =	simm.s32 $0xFFFF6A00;
	[sflag:s17] =	ssyncadd.s32 $0xFFFFEC00  }
.LBB2_2:
0x3a: {  	[spmem:s2] =	stream.indirect.scatter.add.f32 [tilespmem:s15], [sflag:$0x4], $0x40, s26, s13, $0xb8;
	[tilespmem:$0x11620] =	vst v63  }
0x3b: {  	s26 =	smov.u32 s25  }
0x3c: {  	p0 =	sne.s32 s25, $0xFFFFFD80;
	s25 =	sadd.s32 $0x280, s25;
	_ =	swait.ge [sflag:s19], $0x1400  }
0x3d: {  	[sflag:s19] =	ssyncset.done $0x0  }
0x3e: {  	[sflag:s19] =	ssyncadd.s32 $0xFFFFEC00  }
0x3f: {  	_ =	swait.ge [sflag:s20], $0x1400  }
0x40: {  	s26 =	sshra.s32 s26, $0x2;
	[sflag:s20] =	ssyncset.done $0x0  }
0x41: {  	s28 =	sadd.s32 $0x26C0, s26;
	[sflag:s20] =	ssyncadd.s32 $0xFFFFEC00  }
0x42: {  	[tilespmem:s14], [sflag:$0x1] =	stream.indirect.gather [hbm4b:s4+s13], $0x40, s28, s13, $0xb8;
	[tilespmem:$0x11620] =	vst v63  }
0x43: {  	s28 =	sadd.s32 $0x2710, s26  }
0x44: {  	[tilespmem:s15], [sflag:$0x2] =	stream.indirect.gather [hbm4b:s4+s13], $0x40, s28, s13, $0xb8;
	[tilespmem:$0x11620] =	vst v63  }
0x45: {  	_ =	swait.ge [sflag:s16], $0x1400  }
0x46: {  	[sflag:s16] =	ssyncset.done $0x0  }
.Ltmp0:
0x47: {  	s28 =	sadd.s32 $0x4DD0, s26;
	[sflag:s16] =	ssyncadd.s32 $0xFFFFEC00;
	(pc) =	sbr.rel @p0 .LBB2_2-.Ltmp0, $4  }
0x48: {  	[spmem:s2] =	stream.indirect.scatter.add.f32 [tilespmem:s14], [sflag:$0x3], $0x40, s28, s13, $0xb8;
	[tilespmem:$0x11620] =	vst v63  }
0x49: {  	_ =	swait.ge [sflag:s17], $0x1400  }
0x4a: {  	[sflag:s17] =	ssyncset.done $0x0  }
0x4b: {  	s26 =	sadd.s32 $0x4E20, s26;
	[sflag:s17] =	ssyncadd.s32 $0xFFFFEC00  }
0x4c: {  	[spmem:s2] =	stream.indirect.scatter.add.f32 [tilespmem:s15], [sflag:$0x4], $0x40, s26, s13, $0xb8;
	[tilespmem:$0x11620] =	vst v63  }
0x4d: {  	_ =	swait.ge [sflag:s19], $0x1400  }
0x4e: {  	[sflag:s19] =	ssyncset.done $0x0  }
0x4f: {  	[sflag:s19] =	ssyncadd.s32 $0xFFFFEC00  }
0x50: {  	_ =	swait.ge [sflag:s20], $0x1400  }
0x51: {  	[sflag:s20] =	ssyncset.done $0x0  }
0x52: {  	[sflag:s20] =	ssyncadd.s32 $0xFFFFEC00  }
0x53: {  	[tilespmem:s14], [sflag:$0x1] =	stream.indirect.gather [hbm4b:s4+s13], $0x40, s21, s13, $0xb8;
	[tilespmem:$0x11620] =	vst v63  }
0x54: {  	_ =	swait.ge [sflag:s16], $0x1400  }
0x55: {  	[sflag:s16] =	ssyncset.done $0x0  }
0x56: {  	[sflag:s16] =	ssyncadd.s32 $0xFFFFEC00  }
0x57: {  	[spmem:s2] =	stream.indirect.scatter.add.f32 [tilespmem:s14], [sflag:$0x5], $0x40, s22, s13, $0xb8;
	[tilespmem:$0x11620] =	vst v63  }
0x58: {  	_ =	swait.ge [sflag:s11], $0x1400  }
0x59: {  	s24 =	sadd.s32 $0x1, s24;
	[sflag:s11] =	ssyncset.done $0x0  }
0x5a: {  	p0 =	sne.s32 s24, s9;
	[sflag:s11] =	ssyncadd.s32 $0xFFFFEC00  }
.Ltmp1:
0x5b: {  	[bflag:$0x0] =	sbarrier.arrive $0xFFFF;
	(pc) =	sbr.rel @p0 .LBB2_1-.Ltmp1, $4  }
0x5c: {  	[hbm:s23], [sflag:s6] =	dma.local [spmem:s10], $0x1400  }
0x5d: {  	_ =	swait.ge [sflag:s11], $0x1400  }
0x5e: {  	[sflag:s11] =	ssyncset.done $0x0  }
0x5f: {  	[sflag:s11] =	ssyncadd.s32 $0xFFFFEC00  }
0x60: {  	_ =	sfence.sel $0x180000  }
0x61: {  	[bflag:$0x0] =	sbarrier.arrive $0xFFFF  }
0x62: {  	p0 =	sne.s32 s1, $0x0;
	_ =	strace $0x9000004A  }
0x63: {  	s0 =	sadd.s32 @!p0 $0x100000, s0;
	[bflag:$0x2] =	sbarrier.arrive $0xFFFF  }
0x64: {  	[sflag:s0] =	ssyncadd.tile.s32 @!p0 $0x1;
	_ =	shalt  }
.Lfunc_end2:
_tile_overlayer_lowered:
.L_overlay_start_2:
0x65: {  	(tag) =	ssettag $0x2  }
0x66: {  	s0 =	rddreg [dreg:$0x0];
	s2 =	stileid.u32  }
0x67: {  	s1 =	rddreg [dreg:$0x1];
	p0 =	sne.s32 s2, $0x0  }
0x68: {  	s3 =	rddreg [dreg:$0x2];
	[bflag:$0x3] =	sbarrier.arrive $0xFFFF;
	s2 =	simm.s32 @!p0 $0x1C05  }
0x69: {  	[timem:s3], [sflag:s2] =	dma.local @!p0 [hbm:s0], s1  }
0x6a: {  	s0 =	simm.s32 @!p0 $0x5  }
0x6b: {  	_ =	swait.ge @!p0 [sflag:s0], s1  }
0x6c: {  	s1 =	ssub.s32 @!p0 $0x0, s1;
	[sflag:s0] =	ssyncset.done @!p0 $0x0  }
0x6d: {  	[sflag:s0] =	ssyncadd.s32 @!p0 s1  }
0x6e: {  	[bflag:$0x3] =	sbarrier.arrive $0xFFFF  }
0x6f: {  	_ =	shalt  }

// kernel: kernel.14.cloned.1.call-start
scs
__scs_entry_jumppad:
0x0: {  	(pc) =	sbr.rel $0x88, $3  }
0x1: {  	(tag) =	ssettag $0x0;
	lr =	simm.s32 $0x1  }
0x2: {  	[smem:$0x3F8F] =	sst lr;
	_ =	strace $0xD0000000  }
0x3: {  	_ = 	snop  }
0x4: {  	_ = 	snop  }
0x5: {  	_ = 	snop  }
0x6: {  	_ = 	snop  }
0x7: {  	_ = 	snop  }
__scs_overlays_trampoline_lowered:
0x8: {  	[smem:$0x3F9E] =	sst s0  }
0x9: {  	[smem:$0x3F9F] =	sst s1  }
0xa: {  	[smem:$0x3FA0] =	sst s2  }
0xb: {  	[smem:$0x3FA1] =	sst s3  }
0xc: {  	[smem:$0x3FA2] =	sst s4  }
0xd: {  	[smem:$0x3FA3] =	sst s5  }
0xe: {  	[smem:$0x3FA4] =	sst s6  }
0xf: {  	[smem:$0x3FA5] =	sst s7  }
0x10: {  	[smem:$0x3FA6] =	sst s8  }
0x11: {  	[smem:$0x3FA7] =	sst s9;
	s0 =	simm.s32 @!p0 $0x0  }
0x12: {  	s1 =	sld [smem:$0x3F8D];
	s0 =	simm.s32 @p0 $0x1  }
0x13: {  	[smem:$0x3FA8] =	sst s0;
	s0 =	simm.s32 @!p1 $0x0  }
0x14: {  	s2 =	sld [smem:$0x3F8C];
	s0 =	simm.s32 @p1 $0x1  }
0x15: {  	[smem:$0x3FA9] =	sst s0;
	s0 =	simm.s32 @!p2 $0x0  }
0x16: {  	s3 =	sld [smem:$0x3FDB];
	s0 =	simm.s32 @p2 $0x1  }
0x17: {  	s4 =	simm.s32 $0x1BF5;
	[smem:$0x3FAB] =	sst s0  }
0x18: {  	s0 =	sld [smem:$0x3F8E];
	_ =	swait.ge [sflag:s4], $0x0  }
0x19: {  	s7 =	sld [smem:$0x3F8F]  }
0x1a: {  	s8 =	sadd.s32 $0xFFFFE003, lr  }
0x1b: {  	s9 =	sadd.s32 $0xFFFFFEF7, lr;
	s5 =	simm.s32 $0xFFFFFFFF;
	p2 =	slt.u32 s8, $0xFFFFF086  }
0x1c: {  	p1 =	slt.u32 s9, $0xF7A;
	s5 =	simm.s32 @!p2 $0x0  }
0x1d: {  	s5 =	simm.s32 @p1 $0x1;
	p0 =	seq.s32 s7, s2  }
0x1e: {  	s7 =	smul.u32 @!p0 $0xF7A, s2;
	p2 =	seq.s32 @!p0 s5, $0x0  }
0x1f: {  	s9 =	smul.u32 $0xF7A, s1;
	s8 =	simm.s32 @!p0 $0x1BF5;
	p2 =	por !p2, p0  }
0x20: {  	[sflag:s8] =	ssyncset.s32 @!p0 $0xFFFFF086;
	s6 =	sadd.s32 @!p0 s3, s7;
	s7 =	simm.s32 @!p0 $0x108  }
0x21: {  	s3 =	sadd.s32 s3, s9;
	s6 =	sadd.s32 @!p0 $0x88, s6;
	s7 =	simm.s32 @p2 $0x1082  }
0x22: {  	[simem:s7], [sflag:s8] =	dma.local @!p0 [hbm:s6], $0xF7A  }
0x23: {  	s9 =	sor.u32 $0xD0000000, s2;
	s6 =	simm.s32 $0x108;
	_ =	swait.ge @!p0 [sflag:s8], $0x0  }
0x24: {  	s3 =	sadd.s32 $0x88, s3;
	s6 =	simm.s32 @!p1 $0x1082;
	[sflag:s4] =	ssyncset.s32 $0xFFFFF086  }
0x25: {  	[simem:s6], [sflag:s4] =	dma.local [hbm:s3], $0xF7A  }
0x26: {  	[smem:$0x3F8F] =	sst s1;
	(tag) =	ssettag s2;
	_ =	strace s9  }
0x27: {  	s1 =	sld [smem:$0x3F9F]  }
0x28: {  	s2 =	sld [smem:$0x3FA0]  }
0x29: {  	s4 =	sld [smem:$0x3FA2]  }
0x2a: {  	p0 =	seq.s32 s5, $0x0;
	s5 =	sld [smem:$0x3FA3]  }
0x2b: {  	s6 =	sld [smem:$0x3FA4]  }
0x2c: {  	s7 =	sld [smem:$0x3FA5]  }
0x2d: {  	s3 =	simm.s32 $0x108;
	s8 =	sld [smem:$0x3FA6]  }
0x2e: {  	s3 =	simm.s32 @!p0 $0x1082;
	s9 =	sld [smem:$0x3FA7]  }
0x2f: {  	lr =	sadd.s32 s0, s3;
	s0 =	sld [smem:$0x3F9E]  }
0x30: {  	s3 =	sld [smem:$0x3FA1]  }
0x31: {  	[smem:$0x3FAA] =	sst s10  }
0x32: {  	s10 =	sld [smem:$0x3FA8];
	_ =	sdelay $0x3  }
0x33: {  	p0 =	seq.s32 s10, $0x1;
	s10 =	sld [smem:$0x3FAA];
	_ =	sdelay $0x3  }
0x34: {  	[smem:$0x3FAA] =	sst s10  }
0x35: {  	s10 =	sld [smem:$0x3FA9];
	_ =	sdelay $0x3  }
0x36: {  	p1 =	seq.s32 s10, $0x1;
	s10 =	sld [smem:$0x3FAA];
	_ =	sdelay $0x3  }
0x37: {  	[smem:$0x3FAA] =	sst s10  }
0x38: {  	s10 =	sld [smem:$0x3FAB]  }
0x39: {  	_ = 	snop;
	(pc) =	sbr.ind lr, $3  }
0x3a: {  	_ = 	snop  }
0x3b: {  	_ = 	snop  }
0x3c: {  	p2 =	seq.s32 s10, $0x1;
	s10 =	sld [smem:$0x3FAA]  }
0x3d: {  	_ =	shalt  }
0x3e: {  	_ =	shalt  }
0x3f: {  	_ =	shalt  }
0x40: {  	_ =	shalt  }
0x41: {  	_ =	shalt  }
0x42: {  	_ =	shalt  }
0x43: {  	_ =	shalt  }
0x44: {  	_ =	shalt  }
0x45: {  	_ =	shalt  }
0x46: {  	_ =	shalt  }
0x47: {  	_ =	shalt  }
0x48: {  	_ =	shalt  }
0x49: {  	_ =	shalt  }
0x4a: {  	_ =	shalt  }
0x4b: {  	_ =	shalt  }
0x4c: {  	_ =	shalt  }
0x4d: {  	_ =	shalt  }
0x4e: {  	_ =	shalt  }
0x4f: {  	_ =	shalt  }
0x50: {  	_ =	shalt  }
0x51: {  	_ =	shalt  }
0x52: {  	_ =	shalt  }
0x53: {  	_ =	shalt  }
0x54: {  	_ =	shalt  }
0x55: {  	_ =	shalt  }
0x56: {  	_ =	shalt  }
0x57: {  	_ =	shalt  }
0x58: {  	_ =	shalt  }
0x59: {  	_ =	shalt  }
0x5a: {  	_ =	shalt  }
0x5b: {  	_ =	shalt  }
0x5c: {  	_ =	shalt  }
0x5d: {  	_ =	shalt  }
0x5e: {  	_ =	shalt  }
0x5f: {  	_ =	shalt  }
0x60: {  	_ =	shalt  }
0x61: {  	_ =	shalt  }
0x62: {  	_ =	shalt  }
0x63: {  	_ =	shalt  }
0x64: {  	_ =	shalt  }
0x65: {  	_ =	shalt  }
0x66: {  	_ =	shalt  }
0x67: {  	_ =	shalt  }
0x68: {  	_ =	shalt  }
0x69: {  	_ =	shalt  }
0x6a: {  	_ =	shalt  }
0x6b: {  	_ =	shalt  }
0x6c: {  	_ =	shalt  }
0x6d: {  	_ =	shalt  }
0x6e: {  	_ =	shalt  }
0x6f: {  	_ =	shalt  }
0x70: {  	_ =	shalt  }
0x71: {  	_ =	shalt  }
0x72: {  	_ =	shalt  }
0x73: {  	_ =	shalt  }
0x74: {  	_ =	shalt  }
0x75: {  	_ =	shalt  }
0x76: {  	_ =	shalt  }
0x77: {  	_ =	shalt  }
0x78: {  	_ =	shalt  }
0x79: {  	_ =	shalt  }
0x7a: {  	_ =	shalt  }
0x7b: {  	_ =	shalt  }
0x7c: {  	_ =	shalt  }
0x7d: {  	_ =	shalt  }
0x7e: {  	_ =	shalt  }
0x7f: {  	_ =	shalt  }
0x80: {  	_ =	shalt  }
0x81: {  	_ =	shalt  }
0x82: {  	_ =	shalt  }
0x83: {  	_ =	shalt  }
0x84: {  	_ =	shalt  }
0x85: {  	_ =	shalt  }
0x86: {  	_ =	shalt  }
0x87: {  	_ =	shalt  }
.Lfunc_end0:
.L_simem_size_0:
called_computation.1_lowered:
.L_overlay_start_0:
0x88: {  	s2 =	sld [smem:$0x3FD9]  }
0x89: {  	s3 =	sld [smem:$0x3FFE];
	_ =	sdelay $0x1  }
0x8a: {  	s1 =	srdreg.scid  }
0x8b: {  	s0 =	sand.u32 $0x1, s1  }
0x8c: {  	s16 =	sshll.u32 s0, $0xA;
	s2 =	sadd.s32 s3, s2  }
0x8d: {  	s2 =	sadd.s32 s2, s16  }
0x8e: {  	[smem:$0x3FB6] =	sst s2  }
0x8f: {  	_ = 	snop  }
0x90: {  	(tm) =	ssettm $0x1  }
0x91: {  	s17 =	sld [smem:$0x3FFB];
	_ =	sdelay $0x3  }
0x92: {  	_ =	strace s17  }
0x93: {  	s2 =	sld [smem:$0x3FFC];
	_ =	sdelay $0x3  }
0x94: {  	_ =	strace s2  }
0x95: {  	s2 =	sld [smem:$0x3FFD];
	_ =	sdelay $0x3  }
0x96: {  	_ =	strace s2  }
0x97: {  	_ =	strace $0x8FFFFFFF  }
0x98: {  	s18 =	sld [smem:$0x3FDB];
	_ =	sdelay $0x1  }
0x99: {  	s19 =	simm.s32 $_scs_section_size  }
0x9a: {  	s4 =	simm.s32 $_size__tile_overlayer_lowered;
	s5 =	simm.s32 $_tile_overlayer_lowered  }
0x9b: {  	s22 =	simm.s32 $0x1BFF;
	s21 =	sshll.u32 s5, $0x1;
	s2 =	sadd.s32 s19, s18  }
0x9c: {  	s6 =	simm.s32 $0x0;
	s20 =	sshll.u32 s4, $0x1;
	s4 =	sadd.s32 s21, s2  }
0x9d: {  	[timem:s6], [sflag:s22] =	dma.local [hbm:s4], s20  }
0x9e: {  	_ =	swait.ge [sflag:s22], s20  }
0x9f: {  	s3 =	ssub.s32 $0x0, s20;
	[sflag:s22] =	ssyncset.done $0x0  }
0xa0: {  	[sflag:s22] =	ssyncadd.s32 s3;
	_ =	sdelay $0x1  }
0xa1: {  	s23 =	simm.s32 $0x1B8B  }
0xa2: {  	_ =	swait.ge [sflag:s23], $0x1  }
0xa3: {  	[sflag:s23] =	ssyncset.done $0x0  }
0xa4: {  	s25 =	simm.s32 $0x1B8E;
	s24 =	sld [smem:$0x3FFE];
	[sflag:s23] =	ssyncadd.s32 $0xFFFFFFFF  }
0xa5: {  	s26 =	simm.s32 $execute0_lowered;
	[smem:$0x3FD2] =	sst s25  }
0xa6: {  	s4 =	sshll.u32 s26, $0x1;
	_ =	strace $0x80000046;
	[dreg:$0x1] =	wrdreg $0xFFFFFFFF  }
0xa7: {  	s28 =	simm.s32 $_size_execute0_lowered;
	s2 =	sadd.s32 s2, s4;
	[dreg:$0x0] =	wrdreg $0x0  }
0xa8: {  	s4 =	sshll.u32 s28, $0x1;
	[dreg:$0x2] =	wrdreg s2  }
0xa9: {  	[dreg:$0x3] =	wrdreg s4  }
0xaa: {  	[dreg:$0x4] =	wrdreg $0xC0  }
0xab: {  	_ =	task [dreg:s6], $0x5FFFF  }
0xac: {  	[dreg:$0x1] =	wrdreg $0xFFFFFFFF  }
0xad: {  	[dreg:$0x0] =	wrdreg $0x60  }
0xae: {  	[dreg:$0x2] =	wrdreg s24  }
0xaf: {  	[dreg:$0x3] =	wrdreg $0x4F100  }
0xb0: {  	[dreg:$0x4] =	wrdreg $0xA  }
0xb1: {  	_ =	task.clear_ibuf [dreg:s6], $0x5FFFF;
	_ =	strace $0x90000046  }
0xb2: {  	s29 =	simm.s32 $0xA;
	_ =	strace $0x80000048  }
0xb3: {  	_ =	swait.ge [sflag:s29], $0x1  }
0xb4: {  	[sflag:s29] =	ssyncadd.s32 $0xFFFFFFFF  }
0xb5: {  	_ =	strace $0x90000048  }
0xb6: {  	_ =	sfence  }
0xb7: {  	s30 =	sld [smem:$0x0];
	_ =	sdelay $0x2  }
0xb8: {  	s31 =	sshll.u32 s1, $0xD;
	s1 =	sshrl.u32 s1, $0x2  }
0xb9: {  	s3 =	sand.u32 $0x4000, s31;
	s1 =	sadd.s32 s1, s30  }
0xba: {  	s0 =	sor.u32 s3, s0;
	s1 =	sshll.u32 s1, $0x11  }
0xbb: {  	s0 =	sor.u32 s1, s0  }
0xbc: {  	s0 =	sadd.s32 $0x8F2B, s0  }
0xbd: {  	[sflag:s0] =	ssyncadd.remote.s32 $0x1  }
0xbe: {  	_ =	sfence.sel $0xFFFF  }
0xbf: {  	[dreg:$0x0] =	wrdreg $0xFFFFFFFF;
	(pc) =	sbr.abs _section_cstart, $3  }
0xc0: {  	[dreg:$0x1] =	wrdreg $0xFFFFFFFF  }
0xc1: {  	_ =	task.clear_ibuf [dreg:s6], $0x2FFFF;
	_ =	strace $0x9FFFFFFF  }
0xc2: {  	(tm) =	ssettm $0x7FFFFFFF  }
0xc3: {  	_ =	shalt  }
tec
execute0_lowered:
.L_overlay_start_1:
0x0: {  	(tag) =	ssettag $0x1  }
0x1: {  	s1 =	srdreg.scid;
	s5 =	rddreg [dreg:$0x0]  }
0x2: {  	s0 =	stileid.u32;
	s2 =	rddreg [dreg:$0x1];
	s3 =	simm.s32 $0x0  }
0x3: {  	s13 =	simm.s32 $0x3B10;
	s14 =	simm.s32 $0x1;
	s15 =	simm.s32 $0x50  }
0x4: {  	s16 =	simm.s32 $0x2;
	s18 =	simm.s32 $0x3;
	s19 =	simm.s32 $0x4  }
0x5: {  	s20 =	simm.s32 $0x26C0;
	s4 =	sand.u32 $0x1, s1;
	s1 =	rddreg [dreg:$0x2]  }
0x6: {  	s29 =	sshll.u32 s0, $0x1;
	[smem:$0x7FF] =	sst s3;
	s11 =	smul.u32 $0xA000, s0  }
0x7: {  	s30 =	sshll.u32 s0, $0x6;
	s6 =	sor.u32 s4, s29;
	s8 =	smul.u32 $0x14000, s4  }
0x8: {  	_ =	strace $0x80000047;
	s9 =	ssub.s32 $0x2, s4;
	s7 =	smul.u32 $0x13880, s6  }
0x9: {  	s4 =	sadd.s32 $0x288400, s5;
	s6 =	smul.u32 $0x4E2, s6;
	s10 =	sshrl.u32 s9, $0x1  }
0xa: {  	s31 =	sadd.s32 s11, s2;
	s22 =	sshrl.u32 s11, $0x3;
	s11 =	simm.s32 $0x2710  }
0xb: {  	s8 =	sadd.s32 s8, s5;
	s9 =	ssub.s32 s9, s10;
	s10 =	simm.s32 $0x5  }
0xc: {  	s7 =	sadd.s32 s7, s5;
	s6 =	sadd.s32 s6, s5;
	s5 =	sor.u32 $0x1C05, s30  }
0xd: {  	s21 =	sadd.s32 $0x289800, s8;
	s8 =	smax.u32 s9, $0x1;
	s9 =	sshrl.u32 s31, $0x3  }
0xe: {  	s6 =	sadd.s32 $0x3800, s6;
	s7 =	sadd.s32 $0x17400, s7;
	s21 =	sadd.s32 s22, s21  }
0xf: {  	s22 =	simm.s32 $0x0;
	s12 =	sadd.s32 $0x280, s7;
	s17 =	sadd.s32 $0x780, s7  }
.LBB2_1:
0x10: {  	[spmem:s9], [sflag:s5] =	dma.local [hbm:s4], $0x1400  }
0x11: {  	_ =	swait.ge [sflag:s10], $0x1400  }
0x12: {  	[sflag:s10] =	ssyncset.done $0x0  }
0x13: {  	[sflag:s10] =	ssyncadd.s32 $0xFFFFEC00  }
0x14: {  	[bflag:$0x0] =	sbarrier.arrive $0xFFFF  }
0x15: {  	[tilespmem:s3], [sflag:$0x5] =	stream.linear.gather [hbm4b:s6+s3], $0x2710, $0x38;
	[tilespmem:$0xEF10] =	vst v63  }
0x16: {  	_ =	swait.ge [sflag:s10], $0x2710  }
0x17: {  	[sflag:s10] =	ssyncset.done $0x0  }
0x18: {  	[sflag:s10] =	ssyncadd.s32 $0xFFFFD8F0  }
0x19: {  	[tilespmem:s11], [sflag:$0x1] =	stream.linear.gather [hbm4b:s7+s3], $0x1400, $0x38;
	[tilespmem:$0xEF10] =	vst v63  }
0x1a: {  	_ = 	snop  }
0x1b: {  	[tilespmem:s13], [sflag:$0x2] =	stream.linear.gather [hbm4b:s12+s3], $0x1400, $0x38;
	[tilespmem:$0xEF10] =	vst v63  }
0x1c: {  	_ =	swait.ge [sflag:s14], $0x1400  }
0x1d: {  	[sflag:s14] =	ssyncset.done $0x0  }
0x1e: {  	[sflag:s14] =	ssyncadd.s32 $0xFFFFEC00  }
0x1f: {  	[spmem:s2] =	stream.indirect.scatter.add.f32 [tilespmem:s11], [sflag:$0x3], $0x40, s3, s15, $0xb8;
	[tilespmem:$0xEF10] =	vst v63  }
0x20: {  	_ =	swait.ge [sflag:s16], $0x1400  }
0x21: {  	[sflag:s16] =	ssyncset.done $0x0  }
0x22: {  	[sflag:s16] =	ssyncadd.s32 $0xFFFFEC00  }
0x23: {  	[spmem:s2] =	stream.indirect.scatter.add.f32 [tilespmem:s13], [sflag:$0x4], $0x40, s15, s15, $0xb8;
	[tilespmem:$0xEF10] =	vst v63  }
0x24: {  	_ =	swait.ge [sflag:s18], $0x1400  }
0x25: {  	[sflag:s18] =	ssyncset.done $0x0  }
0x26: {  	[sflag:s18] =	ssyncadd.s32 $0xFFFFEC00  }
0x27: {  	_ =	swait.ge [sflag:s19], $0x1400  }
0x28: {  	[sflag:s19] =	ssyncset.done $0x0  }
0x29: {  	s23 =	sadd.s32 $0xFFFFFD80, s17;
	[sflag:s19] =	ssyncadd.s32 $0xFFFFEC00  }
0x2a: {  	[tilespmem:s11], [sflag:$0x1] =	stream.linear.gather [hbm4b:s23+s3], $0x1400, $0x38;
	[tilespmem:$0xEF10] =	vst v63  }
0x2b: {  	_ = 	snop  }
0x2c: {  	[tilespmem:s13], [sflag:$0x2] =	stream.linear.gather [hbm4b:s17+s3], $0x1400, $0x38;
	[tilespmem:$0xEF10] =	vst v63  }
0x2d: {  	_ =	swait.ge [sflag:s14], $0x1400  }
0x2e: {  	[sflag:s14] =	ssyncset.done $0x0  }
0x2f: {  	s31 =	simm.s32 $0xA0;
	[sflag:s14] =	ssyncadd.s32 $0xFFFFEC00  }
0x30: {  	[spmem:s2] =	stream.indirect.scatter.add.f32 [tilespmem:s11], [sflag:$0x3], $0x40, s31, s15, $0xb8;
	[tilespmem:$0xEF10] =	vst v63  }
0x31: {  	_ =	swait.ge [sflag:s16], $0x1400  }
0x32: {  	s25 =	simm.s32 $0xF0;
	[sflag:s16] =	ssyncset.done $0x0  }
0x33: {  	s24 =	sadd.s32 $0x500, s17;
	s23 =	simm.s32 $0xFFFF6A00;
	[sflag:s16] =	ssyncadd.s32 $0xFFFFEC00  }
.LBB2_2:
0x34: {  	[spmem:s2] =	stream.indirect.scatter.add.f32 [tilespmem:s13], [sflag:$0x4], $0x40, s25, s15, $0xb8;
	[tilespmem:$0xEF10] =	vst v63  }
0x35: {  	s25 =	smov.u32 s23  }
0x36: {  	p0 =	sne.s32 s23, $0xFFFFFD80;
	s23 =	sadd.s32 $0x280, s23;
	_ =	swait.ge [sflag:s18], $0x1400  }
0x37: {  	[sflag:s18] =	ssyncset.done $0x0  }
0x38: {  	[sflag:s18] =	ssyncadd.s32 $0xFFFFEC00  }
0x39: {  	_ =	swait.ge [sflag:s19], $0x1400  }
0x3a: {  	[sflag:s19] =	ssyncset.done $0x0  }
0x3b: {  	s26 =	sadd.s32 $0xFFFFFD80, s24;
	[sflag:s19] =	ssyncadd.s32 $0xFFFFEC00  }
0x3c: {  	[tilespmem:s11], [sflag:$0x1] =	stream.linear.gather [hbm4b:s26+s3], $0x1400, $0x38;
	[tilespmem:$0xEF10] =	vst v63  }
0x3d: {  	_ = 	snop  }
0x3e: {  	[tilespmem:s13], [sflag:$0x2] =	stream.linear.gather [hbm4b:s24+s3], $0x1400, $0x38;
	[tilespmem:$0xEF10] =	vst v63  }
0x3f: {  	_ =	swait.ge [sflag:s14], $0x1400  }
0x40: {  	s25 =	sshra.s32 s25, $0x2;
	[sflag:s14] =	ssyncset.done $0x0  }
.Ltmp0:
0x41: {  	s26 =	sadd.s32 $0x26C0, s25;
	[sflag:s14] =	ssyncadd.s32 $0xFFFFEC00;
	(pc) =	sbr.rel @p0 .LBB2_2-.Ltmp0, $4  }
0x42: {  	[spmem:s2] =	stream.indirect.scatter.add.f32 [tilespmem:s11], [sflag:$0x3], $0x40, s26, s15, $0xb8;
	[tilespmem:$0xEF10] =	vst v63  }
0x43: {  	_ =	swait.ge [sflag:s16], $0x1400  }
0x44: {  	[sflag:s16] =	ssyncset.done $0x0  }
0x45: {  	s25 =	sadd.s32 $0x2710, s25;
	s24 =	sadd.s32 $0x500, s24;
	[sflag:s16] =	ssyncadd.s32 $0xFFFFEC00  }
0x46: {  	[spmem:s2] =	stream.indirect.scatter.add.f32 [tilespmem:s13], [sflag:$0x4], $0x40, s25, s15, $0xb8;
	[tilespmem:$0xEF10] =	vst v63  }
0x47: {  	_ =	swait.ge [sflag:s18], $0x1400  }
0x48: {  	[sflag:s18] =	ssyncset.done $0x0  }
0x49: {  	[sflag:s18] =	ssyncadd.s32 $0xFFFFEC00  }
0x4a: {  	_ =	swait.ge [sflag:s19], $0x1400  }
0x4b: {  	[sflag:s19] =	ssyncset.done $0x0  }
0x4c: {  	s23 =	sadd.s32 $0x13600, s7;
	[sflag:s19] =	ssyncadd.s32 $0xFFFFEC00  }
0x4d: {  	[tilespmem:s11], [sflag:$0x1] =	stream.linear.gather [hbm4b:s23+s3], $0x1400, $0x38;
	[tilespmem:$0xEF10] =	vst v63  }
0x4e: {  	_ =	swait.ge [sflag:s14], $0x1400  }
0x4f: {  	[sflag:s14] =	ssyncset.done $0x0  }
0x50: {  	[sflag:s14] =	ssyncadd.s32 $0xFFFFEC00  }
0x51: {  	[spmem:s2] =	stream.indirect.scatter.add.f32 [tilespmem:s11], [sflag:$0x5], $0x40, s20, s15, $0xb8;
	[tilespmem:$0xEF10] =	vst v63  }
0x52: {  	_ =	swait.ge [sflag:s10], $0x1400  }
0x53: {  	s22 =	sadd.s32 $0x1, s22;
	[sflag:s10] =	ssyncset.done $0x0  }
0x54: {  	p0 =	sne.s32 s22, s8;
	[sflag:s10] =	ssyncadd.s32 $0xFFFFEC00  }
.Ltmp1:
0x55: {  	[bflag:$0x0] =	sbarrier.arrive $0xFFFF;
	(pc) =	sbr.rel @p0 .LBB2_1-.Ltmp1, $4  }
0x56: {  	[hbm:s21], [sflag:s5] =	dma.local [spmem:s9], $0x1400  }
0x57: {  	_ =	swait.ge [sflag:s10], $0x1400  }
0x58: {  	[sflag:s10] =	ssyncset.done $0x0  }
0x59: {  	[sflag:s10] =	ssyncadd.s32 $0xFFFFEC00  }
0x5a: {  	_ =	sfence.sel $0x180000  }
0x5b: {  	[bflag:$0x0] =	sbarrier.arrive $0xFFFF  }
0x5c: {  	p0 =	sne.s32 s0, $0x0;
	_ =	strace $0x90000047  }
0x5d: {  	s0 =	sadd.s32 @!p0 $0x100000, s1;
	[bflag:$0x2] =	sbarrier.arrive $0xFFFF  }
0x5e: {  	[sflag:s0] =	ssyncadd.tile.s32 @!p0 $0x1;
	_ =	shalt  }
.Lfunc_end2:
_tile_overlayer_lowered:
.L_overlay_start_2:
0x5f: {  	(tag) =	ssettag $0x2  }
0x60: {  	s0 =	rddreg [dreg:$0x0];
	s2 =	stileid.u32  }
0x61: {  	s1 =	rddreg [dreg:$0x1];
	p0 =	sne.s32 s2, $0x0  }
0x62: {  	s3 =	rddreg [dreg:$0x2];
	[bflag:$0x3] =	sbarrier.arrive $0xFFFF;
	s2 =	simm.s32 @!p0 $0x1C05  }
0x63: {  	[timem:s3], [sflag:s2] =	dma.local @!p0 [hbm:s0], s1  }
0x64: {  	s0 =	simm.s32 @!p0 $0x5  }
0x65: {  	_ =	swait.ge @!p0 [sflag:s0], s1  }
0x66: {  	s1 =	ssub.s32 @!p0 $0x0, s1;
	[sflag:s0] =	ssyncset.done @!p0 $0x0  }
0x67: {  	[sflag:s0] =	ssyncadd.s32 @!p0 s1  }
0x68: {  	[bflag:$0x3] =	sbarrier.arrive $0xFFFF  }
0x69: {  	_ =	shalt  }

// kernel: kernel.17.cloned.1.call-start
scs
__scs_entry_jumppad:
0x0: {  	(pc) =	sbr.rel $0x88, $3  }
0x1: {  	(tag) =	ssettag $0x0;
	lr =	simm.s32 $0x1  }
0x2: {  	[smem:$0x3F8F] =	sst lr;
	_ =	strace $0xD0000000  }
0x3: {  	_ = 	snop  }
0x4: {  	_ = 	snop  }
0x5: {  	_ = 	snop  }
0x6: {  	_ = 	snop  }
0x7: {  	_ = 	snop  }
__scs_overlays_trampoline_lowered:
0x8: {  	[smem:$0x3F9E] =	sst s0  }
0x9: {  	[smem:$0x3F9F] =	sst s1  }
0xa: {  	[smem:$0x3FA0] =	sst s2  }
0xb: {  	[smem:$0x3FA1] =	sst s3  }
0xc: {  	[smem:$0x3FA2] =	sst s4  }
0xd: {  	[smem:$0x3FA3] =	sst s5  }
0xe: {  	[smem:$0x3FA4] =	sst s6  }
0xf: {  	[smem:$0x3FA5] =	sst s7  }
0x10: {  	[smem:$0x3FA6] =	sst s8  }
0x11: {  	[smem:$0x3FA7] =	sst s9;
	s0 =	simm.s32 @!p0 $0x0  }
0x12: {  	s1 =	sld [smem:$0x3F8D];
	s0 =	simm.s32 @p0 $0x1  }
0x13: {  	[smem:$0x3FA8] =	sst s0;
	s0 =	simm.s32 @!p1 $0x0  }
0x14: {  	s2 =	sld [smem:$0x3F8C];
	s0 =	simm.s32 @p1 $0x1  }
0x15: {  	[smem:$0x3FA9] =	sst s0;
	s0 =	simm.s32 @!p2 $0x0  }
0x16: {  	s3 =	sld [smem:$0x3FDB];
	s0 =	simm.s32 @p2 $0x1  }
0x17: {  	s4 =	simm.s32 $0x1BF5;
	[smem:$0x3FAB] =	sst s0  }
0x18: {  	s0 =	sld [smem:$0x3F8E];
	_ =	swait.ge [sflag:s4], $0x0  }
0x19: {  	s7 =	sld [smem:$0x3F8F]  }
0x1a: {  	s8 =	sadd.s32 $0xFFFFE003, lr  }
0x1b: {  	s9 =	sadd.s32 $0xFFFFFEF7, lr;
	s5 =	simm.s32 $0xFFFFFFFF;
	p2 =	slt.u32 s8, $0xFFFFF086  }
0x1c: {  	p1 =	slt.u32 s9, $0xF7A;
	s5 =	simm.s32 @!p2 $0x0  }
0x1d: {  	s5 =	simm.s32 @p1 $0x1;
	p0 =	seq.s32 s7, s2  }
0x1e: {  	s7 =	smul.u32 @!p0 $0xF7A, s2;
	p2 =	seq.s32 @!p0 s5, $0x0  }
0x1f: {  	s9 =	smul.u32 $0xF7A, s1;
	s8 =	simm.s32 @!p0 $0x1BF5;
	p2 =	por !p2, p0  }
0x20: {  	[sflag:s8] =	ssyncset.s32 @!p0 $0xFFFFF086;
	s6 =	sadd.s32 @!p0 s3, s7;
	s7 =	simm.s32 @!p0 $0x108  }
0x21: {  	s3 =	sadd.s32 s3, s9;
	s6 =	sadd.s32 @!p0 $0x88, s6;
	s7 =	simm.s32 @p2 $0x1082  }
0x22: {  	[simem:s7], [sflag:s8] =	dma.local @!p0 [hbm:s6], $0xF7A  }
0x23: {  	s9 =	sor.u32 $0xD0000000, s2;
	s6 =	simm.s32 $0x108;
	_ =	swait.ge @!p0 [sflag:s8], $0x0  }
0x24: {  	s3 =	sadd.s32 $0x88, s3;
	s6 =	simm.s32 @!p1 $0x1082;
	[sflag:s4] =	ssyncset.s32 $0xFFFFF086  }
0x25: {  	[simem:s6], [sflag:s4] =	dma.local [hbm:s3], $0xF7A  }
0x26: {  	[smem:$0x3F8F] =	sst s1;
	(tag) =	ssettag s2;
	_ =	strace s9  }
0x27: {  	s1 =	sld [smem:$0x3F9F]  }
0x28: {  	s2 =	sld [smem:$0x3FA0]  }
0x29: {  	s4 =	sld [smem:$0x3FA2]  }
0x2a: {  	p0 =	seq.s32 s5, $0x0;
	s5 =	sld [smem:$0x3FA3]  }
0x2b: {  	s6 =	sld [smem:$0x3FA4]  }
0x2c: {  	s7 =	sld [smem:$0x3FA5]  }
0x2d: {  	s3 =	simm.s32 $0x108;
	s8 =	sld [smem:$0x3FA6]  }
0x2e: {  	s3 =	simm.s32 @!p0 $0x1082;
	s9 =	sld [smem:$0x3FA7]  }
0x2f: {  	lr =	sadd.s32 s0, s3;
	s0 =	sld [smem:$0x3F9E]  }
0x30: {  	s3 =	sld [smem:$0x3FA1]  }
0x31: {  	[smem:$0x3FAA] =	sst s10  }
0x32: {  	s10 =	sld [smem:$0x3FA8];
	_ =	sdelay $0x3  }
0x33: {  	p0 =	seq.s32 s10, $0x1;
	s10 =	sld [smem:$0x3FAA];
	_ =	sdelay $0x3  }
0x34: {  	[smem:$0x3FAA] =	sst s10  }
0x35: {  	s10 =	sld [smem:$0x3FA9];
	_ =	sdelay $0x3  }
0x36: {  	p1 =	seq.s32 s10, $0x1;
	s10 =	sld [smem:$0x3FAA];
	_ =	sdelay $0x3  }
0x37: {  	[smem:$0x3FAA] =	sst s10  }
0x38: {  	s10 =	sld [smem:$0x3FAB]  }
0x39: {  	_ = 	snop;
	(pc) =	sbr.ind lr, $3  }
0x3a: {  	_ = 	snop  }
0x3b: {  	_ = 	snop  }
0x3c: {  	p2 =	seq.s32 s10, $0x1;
	s10 =	sld [smem:$0x3FAA]  }
0x3d: {  	_ =	shalt  }
0x3e: {  	_ =	shalt  }
0x3f: {  	_ =	shalt  }
0x40: {  	_ =	shalt  }
0x41: {  	_ =	shalt  }
0x42: {  	_ =	shalt  }
0x43: {  	_ =	shalt  }
0x44: {  	_ =	shalt  }
0x45: {  	_ =	shalt  }
0x46: {  	_ =	shalt  }
0x47: {  	_ =	shalt  }
0x48: {  	_ =	shalt  }
0x49: {  	_ =	shalt  }
0x4a: {  	_ =	shalt  }
0x4b: {  	_ =	shalt  }
0x4c: {  	_ =	shalt  }
0x4d: {  	_ =	shalt  }
0x4e: {  	_ =	shalt  }
0x4f: {  	_ =	shalt  }
0x50: {  	_ =	shalt  }
0x51: {  	_ =	shalt  }
0x52: {  	_ =	shalt  }
0x53: {  	_ =	shalt  }
0x54: {  	_ =	shalt  }
0x55: {  	_ =	shalt  }
0x56: {  	_ =	shalt  }
0x57: {  	_ =	shalt  }
0x58: {  	_ =	shalt  }
0x59: {  	_ =	shalt  }
0x5a: {  	_ =	shalt  }
0x5b: {  	_ =	shalt  }
0x5c: {  	_ =	shalt  }
0x5d: {  	_ =	shalt  }
0x5e: {  	_ =	shalt  }
0x5f: {  	_ =	shalt  }
0x60: {  	_ =	shalt  }
0x61: {  	_ =	shalt  }
0x62: {  	_ =	shalt  }
0x63: {  	_ =	shalt  }
0x64: {  	_ =	shalt  }
0x65: {  	_ =	shalt  }
0x66: {  	_ =	shalt  }
0x67: {  	_ =	shalt  }
0x68: {  	_ =	shalt  }
0x69: {  	_ =	shalt  }
0x6a: {  	_ =	shalt  }
0x6b: {  	_ =	shalt  }
0x6c: {  	_ =	shalt  }
0x6d: {  	_ =	shalt  }
0x6e: {  	_ =	shalt  }
0x6f: {  	_ =	shalt  }
0x70: {  	_ =	shalt  }
0x71: {  	_ =	shalt  }
0x72: {  	_ =	shalt  }
0x73: {  	_ =	shalt  }
0x74: {  	_ =	shalt  }
0x75: {  	_ =	shalt  }
0x76: {  	_ =	shalt  }
0x77: {  	_ =	shalt  }
0x78: {  	_ =	shalt  }
0x79: {  	_ =	shalt  }
0x7a: {  	_ =	shalt  }
0x7b: {  	_ =	shalt  }
0x7c: {  	_ =	shalt  }
0x7d: {  	_ =	shalt  }
0x7e: {  	_ =	shalt  }
0x7f: {  	_ =	shalt  }
0x80: {  	_ =	shalt  }
0x81: {  	_ =	shalt  }
0x82: {  	_ =	shalt  }
0x83: {  	_ =	shalt  }
0x84: {  	_ =	shalt  }
0x85: {  	_ =	shalt  }
0x86: {  	_ =	shalt  }
0x87: {  	_ =	shalt  }
.Lfunc_end0:
.L_simem_size_0:
called_computation.2_lowered:
.L_overlay_start_0:
0x88: {  	s2 =	sld [smem:$0x3FD9]  }
0x89: {  	s3 =	sld [smem:$0x3FFE];
	_ =	sdelay $0x1  }
0x8a: {  	s1 =	srdreg.scid  }
0x8b: {  	s0 =	sand.u32 $0x1, s1  }
0x8c: {  	s16 =	sshll.u32 s0, $0xA;
	s2 =	sadd.s32 s3, s2  }
0x8d: {  	s2 =	sadd.s32 s2, s16  }
0x8e: {  	[smem:$0x3FB6] =	sst s2  }
0x8f: {  	_ = 	snop  }
0x90: {  	(tm) =	ssettm $0x1  }
0x91: {  	s17 =	sld [smem:$0x3FFB];
	_ =	sdelay $0x3  }
0x92: {  	_ =	strace s17  }
0x93: {  	s2 =	sld [smem:$0x3FFC];
	_ =	sdelay $0x3  }
0x94: {  	_ =	strace s2  }
0x95: {  	s2 =	sld [smem:$0x3FFD];
	_ =	sdelay $0x3  }
0x96: {  	_ =	strace s2  }
0x97: {  	_ =	strace $0x8FFFFFFF  }
0x98: {  	s18 =	sld [smem:$0x3FDB];
	_ =	sdelay $0x1  }
0x99: {  	s19 =	simm.s32 $_scs_section_size  }
0x9a: {  	s4 =	simm.s32 $_size__tile_overlayer_lowered;
	s5 =	simm.s32 $_tile_overlayer_lowered  }
0x9b: {  	s22 =	simm.s32 $0x1BFF;
	s21 =	sshll.u32 s5, $0x1;
	s2 =	sadd.s32 s19, s18  }
0x9c: {  	s6 =	simm.s32 $0x0;
	s20 =	sshll.u32 s4, $0x1;
	s4 =	sadd.s32 s21, s2  }
0x9d: {  	[timem:s6], [sflag:s22] =	dma.local [hbm:s4], s20  }
0x9e: {  	_ =	swait.ge [sflag:s22], s20  }
0x9f: {  	s3 =	ssub.s32 $0x0, s20;
	[sflag:s22] =	ssyncset.done $0x0  }
0xa0: {  	[sflag:s22] =	ssyncadd.s32 s3;
	_ =	sdelay $0x1  }
0xa1: {  	s23 =	simm.s32 $0x1B8B  }
0xa2: {  	_ =	swait.ge [sflag:s23], $0x1  }
0xa3: {  	[sflag:s23] =	ssyncset.done $0x0  }
0xa4: {  	s25 =	simm.s32 $0x1B8E;
	s24 =	sld [smem:$0x3FFE];
	[sflag:s23] =	ssyncadd.s32 $0xFFFFFFFF  }
0xa5: {  	s26 =	simm.s32 $execute0_lowered;
	[smem:$0x3FD2] =	sst s25  }
0xa6: {  	s4 =	sshll.u32 s26, $0x1;
	_ =	strace $0x8000004C;
	[dreg:$0x1] =	wrdreg $0xFFFFFFFF  }
0xa7: {  	s28 =	simm.s32 $_size_execute0_lowered;
	s2 =	sadd.s32 s2, s4;
	[dreg:$0x0] =	wrdreg $0x0  }
0xa8: {  	s4 =	sshll.u32 s28, $0x1;
	[dreg:$0x2] =	wrdreg s2  }
0xa9: {  	[dreg:$0x3] =	wrdreg s4  }
0xaa: {  	[dreg:$0x4] =	wrdreg $0xC0  }
0xab: {  	_ =	task [dreg:s6], $0x5FFFF  }
0xac: {  	[dreg:$0x1] =	wrdreg $0xFFFFFFFF  }
0xad: {  	[dreg:$0x0] =	wrdreg $0x60  }
0xae: {  	[dreg:$0x2] =	wrdreg s24  }
0xaf: {  	[dreg:$0x3] =	wrdreg $0x76200  }
0xb0: {  	[dreg:$0x4] =	wrdreg $0x9  }
0xb1: {  	_ =	task.clear_ibuf [dreg:s6], $0x5FFFF;
	_ =	strace $0x9000004C  }
0xb2: {  	s29 =	simm.s32 $0x9;
	_ =	strace $0x8000004E  }
0xb3: {  	_ =	swait.ge [sflag:s29], $0x1  }
0xb4: {  	[sflag:s29] =	ssyncadd.s32 $0xFFFFFFFF  }
0xb5: {  	_ =	strace $0x9000004E  }
0xb6: {  	_ =	sfence  }
0xb7: {  	s30 =	sld [smem:$0x0];
	_ =	sdelay $0x2  }
0xb8: {  	s31 =	sshll.u32 s1, $0xD;
	s1 =	sshrl.u32 s1, $0x2  }
0xb9: {  	s3 =	sand.u32 $0x4000, s31;
	s1 =	sadd.s32 s1, s30  }
0xba: {  	s0 =	sor.u32 s3, s0;
	s1 =	sshll.u32 s1, $0x11  }
0xbb: {  	s0 =	sor.u32 s1, s0  }
0xbc: {  	s0 =	sadd.s32 $0x8F2B, s0  }
0xbd: {  	[sflag:s0] =	ssyncadd.remote.s32 $0x1  }
0xbe: {  	_ =	sfence.sel $0xFFFF  }
0xbf: {  	[dreg:$0x0] =	wrdreg $0xFFFFFFFF;
	(pc) =	sbr.abs _section_cstart, $3  }
0xc0: {  	[dreg:$0x1] =	wrdreg $0xFFFFFFFF  }
0xc1: {  	_ =	task.clear_ibuf [dreg:s6], $0x2FFFF;
	_ =	strace $0x9FFFFFFF  }
0xc2: {  	(tm) =	ssettm $0x7FFFFFFF  }
0xc3: {  	_ =	shalt  }
tec
execute0_lowered:
.L_overlay_start_1:
0x0: {  	(tag) =	ssettag $0x1  }
0x1: {  	s6 =	rddreg [dreg:$0x0];
	s1 =	srdreg.scid  }
0x2: {  	s0 =	stileid.u32;
	s2 =	rddreg [dreg:$0x1];
	s3 =	simm.s32 $0x0  }
0x3: {  	s14 =	simm.s32 $0x4E20;
	s15 =	simm.s32 $0x6220;
	s16 =	simm.s32 $0x1  }
0x4: {  	s17 =	simm.s32 $0x2;
	s18 =	simm.s32 $0x2760;
	s19 =	simm.s32 $0x3  }
0x5: {  	s20 =	simm.s32 $0x4;
	s21 =	simm.s32 $0x26C0;
	s22 =	simm.s32 $0x4DD0  }
0x6: {  	s5 =	sand.u32 $0x1, s1;
	s4 =	sshll.u32 s0, $0x1;
	s1 =	rddreg [dreg:$0x2]  }
0x7: {  	[smem:$0x7FF] =	sst s3;
	s10 =	smul.u32 $0xA000, s0;
	s31 =	sshll.u32 s0, $0x6  }
0x8: {  	s4 =	sor.u32 s5, s4;
	_ =	strace $0x8000004D;
	s8 =	smul.u32 $0x14000, s5  }
0x9: {  	s29 =	ssub.s32 $0x2, s5;
	s5 =	sadd.s32 $0x288400, s6;
	s7 =	smul.u32 $0x4E2, s4  }
0xa: {  	s4 =	sadd.s32 $0x67400, s6;
	s30 =	sshrl.u32 s29, $0x1;
	s13 =	sadd.s32 s10, s2  }
0xb: {  	s24 =	sshrl.u32 s10, $0x3;
	s11 =	sadd.s32 s8, s6;
	s12 =	ssub.s32 s29, s30  }
0xc: {  	s10 =	sshrl.u32 s13, $0x3;
	s13 =	simm.s32 $0x50;
	s9 =	sadd.s32 s7, s6  }
0xd: {  	s6 =	sor.u32 $0x1C05, s31;
	s23 =	sadd.s32 $0x7AE00, s11;
	s11 =	simm.s32 $0x5  }
0xe: {  	s7 =	sadd.s32 $0xD600, s9;
	s8 =	sadd.s32 $0x3800, s9;
	s9 =	smax.u32 s12, $0x1  }
0xf: {  	s12 =	simm.s32 $0x2710;
	s23 =	sadd.s32 s24, s23;
	s24 =	simm.s32 $0x0  }
.LBB2_1:
0x10: {  	[spmem:s10], [sflag:s6] =	dma.local [hbm:s5], $0x1400  }
0x11: {  	_ =	swait.ge [sflag:s11], $0x1400  }
0x12: {  	[sflag:s11] =	ssyncset.done $0x0  }
0x13: {  	[sflag:s11] =	ssyncadd.s32 $0xFFFFEC00  }
0x14: {  	[bflag:$0x0] =	sbarrier.arrive $0xFFFF  }
0x15: {  	[tilespmem:s3], [sflag:$0x5] =	stream.linear.gather [hbm4b:s7+s3], $0x2710, $0x38;
	[tilespmem:$0x11620] =	vst v63  }
0x16: {  	_ =	swait.ge [sflag:s11], $0x2710  }
0x17: {  	[sflag:s11] =	ssyncset.done $0x0  }
0x18: {  	[sflag:s11] =	ssyncadd.s32 $0xFFFFD8F0  }
0x19: {  	[tilespmem:s12], [sflag:$0x5] =	stream.linear.gather [hbm4b:s8+s3], $0x2710, $0x38;
	[tilespmem:$0x11620] =	vst v63  }
0x1a: {  	_ =	swait.ge [sflag:s11], $0x2710  }
0x1b: {  	[sflag:s11] =	ssyncset.done $0x0  }
0x1c: {  	[sflag:s11] =	ssyncadd.s32 $0xFFFFD8F0  }
0x1d: {  	[tilespmem:s14], [sflag:$0x1] =	stream.indirect.gather [hbm4b:s4+s13], $0x40, s3, s13, $0xb8;
	[tilespmem:$0x11620] =	vst v63  }
0x1e: {  	_ = 	snop  }
0x1f: {  	[tilespmem:s15], [sflag:$0x2] =	stream.indirect.gather [hbm4b:s4+s13], $0x40, s13, s13, $0xb8;
	[tilespmem:$0x11620] =	vst v63  }
0x20: {  	_ =	swait.ge [sflag:s16], $0x1400  }
0x21: {  	[sflag:s16] =	ssyncset.done $0x0  }
0x22: {  	[sflag:s16] =	ssyncadd.s32 $0xFFFFEC00  }
0x23: {  	[spmem:s2] =	stream.indirect.scatter.add.f32 [tilespmem:s14], [sflag:$0x3], $0x40, s12, s13, $0xb8;
	[tilespmem:$0x11620] =	vst v63  }
0x24: {  	_ =	swait.ge [sflag:s17], $0x1400  }
0x25: {  	[sflag:s17] =	ssyncset.done $0x0  }
0x26: {  	[sflag:s17] =	ssyncadd.s32 $0xFFFFEC00  }
0x27: {  	[spmem:s2] =	stream.indirect.scatter.add.f32 [tilespmem:s15], [sflag:$0x4], $0x40, s18, s13, $0xb8;
	[tilespmem:$0x11620] =	vst v63  }
0x28: {  	_ =	swait.ge [sflag:s19], $0x1400  }
0x29: {  	[sflag:s19] =	ssyncset.done $0x0  }
0x2a: {  	[sflag:s19] =	ssyncadd.s32 $0xFFFFEC00  }
0x2b: {  	_ =	swait.ge [sflag:s20], $0x1400  }
0x2c: {  	[sflag:s20] =	ssyncset.done $0x0  }
0x2d: {  	s25 =	simm.s32 $0xA0;
	[sflag:s20] =	ssyncadd.s32 $0xFFFFEC00  }
0x2e: {  	[tilespmem:s14], [sflag:$0x1] =	stream.indirect.gather [hbm4b:s4+s13], $0x40, s25, s13, $0xb8;
	[tilespmem:$0x11620] =	vst v63  }
0x2f: {  	s30 =	simm.s32 $0xF0  }
0x30: {  	[tilespmem:s15], [sflag:$0x2] =	stream.indirect.gather [hbm4b:s4+s13], $0x40, s30, s13, $0xb8;
	[tilespmem:$0x11620] =	vst v63  }
0x31: {  	_ =	swait.ge [sflag:s16], $0x1400  }
0x32: {  	[sflag:s16] =	ssyncset.done $0x0  }
0x33: {  	s31 =	simm.s32 $0x27B0;
	[sflag:s16] =	ssyncadd.s32 $0xFFFFEC00  }
0x34: {  	[spmem:s2] =	stream.indirect.scatter.add.f32 [tilespmem:s14], [sflag:$0x3], $0x40, s31, s13, $0xb8;
	[tilespmem:$0x11620] =	vst v63  }
0x35: {  	_ =	swait.ge [sflag:s17], $0x1400  }
0x36: {  	[sflag:s17] =	ssyncset.done $0x0  }
0x37: {  	s26 =	simm.s32 $0x2800;
	s25 =	simm.s32 $0xFFFF6A00;
	[sflag:s17] =	ssyncadd.s32 $0xFFFFEC00  }
.LBB2_2:
0x38: {  	[spmem:s2] =	stream.indirect.scatter.add.f32 [tilespmem:s15], [sflag:$0x4], $0x40, s26, s13, $0xb8;
	[tilespmem:$0x11620] =	vst v63  }
0x39: {  	s26 =	smov.u32 s25  }
0x3a: {  	p0 =	sne.s32 s25, $0xFFFFFD80;
	s25 =	sadd.s32 $0x280, s25;
	_ =	swait.ge [sflag:s19], $0x1400  }
0x3b: {  	[sflag:s19] =	ssyncset.done $0x0  }
0x3c: {  	[sflag:s19] =	ssyncadd.s32 $0xFFFFEC00  }
0x3d: {  	_ =	swait.ge [sflag:s20], $0x1400  }
0x3e: {  	s26 =	sshra.s32 s26, $0x2;
	[sflag:s20] =	ssyncset.done $0x0  }
0x3f: {  	s28 =	sadd.s32 $0x26C0, s26;
	[sflag:s20] =	ssyncadd.s32 $0xFFFFEC00  }
0x40: {  	[tilespmem:s14], [sflag:$0x1] =	stream.indirect.gather [hbm4b:s4+s13], $0x40, s28, s13, $0xb8;
	[tilespmem:$0x11620] =	vst v63  }
0x41: {  	s28 =	sadd.s32 $0x2710, s26  }
0x42: {  	[tilespmem:s15], [sflag:$0x2] =	stream.indirect.gather [hbm4b:s4+s13], $0x40, s28, s13, $0xb8;
	[tilespmem:$0x11620] =	vst v63  }
0x43: {  	_ =	swait.ge [sflag:s16], $0x1400  }
0x44: {  	[sflag:s16] =	ssyncset.done $0x0  }
.Ltmp0:
0x45: {  	s28 =	sadd.s32 $0x4DD0, s26;
	[sflag:s16] =	ssyncadd.s32 $0xFFFFEC00;
	(pc) =	sbr.rel @p0 .LBB2_2-.Ltmp0, $4  }
0x46: {  	[spmem:s2] =	stream.indirect.scatter.add.f32 [tilespmem:s14], [sflag:$0x3], $0x40, s28, s13, $0xb8;
	[tilespmem:$0x11620] =	vst v63  }
0x47: {  	_ =	swait.ge [sflag:s17], $0x1400  }
0x48: {  	[sflag:s17] =	ssyncset.done $0x0  }
0x49: {  	s26 =	sadd.s32 $0x4E20, s26;
	[sflag:s17] =	ssyncadd.s32 $0xFFFFEC00  }
0x4a: {  	[spmem:s2] =	stream.indirect.scatter.add.f32 [tilespmem:s15], [sflag:$0x4], $0x40, s26, s13, $0xb8;
	[tilespmem:$0x11620] =	vst v63  }
0x4b: {  	_ =	swait.ge [sflag:s19], $0x1400  }
0x4c: {  	[sflag:s19] =	ssyncset.done $0x0  }
0x4d: {  	[sflag:s19] =	ssyncadd.s32 $0xFFFFEC00  }
0x4e: {  	_ =	swait.ge [sflag:s20], $0x1400  }
0x4f: {  	[sflag:s20] =	ssyncset.done $0x0  }
0x50: {  	[sflag:s20] =	ssyncadd.s32 $0xFFFFEC00  }
0x51: {  	[tilespmem:s14], [sflag:$0x1] =	stream.indirect.gather [hbm4b:s4+s13], $0x40, s21, s13, $0xb8;
	[tilespmem:$0x11620] =	vst v63  }
0x52: {  	_ =	swait.ge [sflag:s16], $0x1400  }
0x53: {  	[sflag:s16] =	ssyncset.done $0x0  }
0x54: {  	[sflag:s16] =	ssyncadd.s32 $0xFFFFEC00  }
0x55: {  	[spmem:s2] =	stream.indirect.scatter.add.f32 [tilespmem:s14], [sflag:$0x5], $0x40, s22, s13, $0xb8;
	[tilespmem:$0x11620] =	vst v63  }
0x56: {  	_ =	swait.ge [sflag:s11], $0x1400  }
0x57: {  	s24 =	sadd.s32 $0x1, s24;
	[sflag:s11] =	ssyncset.done $0x0  }
0x58: {  	p0 =	sne.s32 s24, s9;
	[sflag:s11] =	ssyncadd.s32 $0xFFFFEC00  }
.Ltmp1:
0x59: {  	[bflag:$0x0] =	sbarrier.arrive $0xFFFF;
	(pc) =	sbr.rel @p0 .LBB2_1-.Ltmp1, $4  }
0x5a: {  	[hbm:s23], [sflag:s6] =	dma.local [spmem:s10], $0x1400  }
0x5b: {  	_ =	swait.ge [sflag:s11], $0x1400  }
0x5c: {  	[sflag:s11] =	ssyncset.done $0x0  }
0x5d: {  	[sflag:s11] =	ssyncadd.s32 $0xFFFFEC00  }
0x5e: {  	_ =	sfence.sel $0x180000  }
0x5f: {  	[bflag:$0x0] =	sbarrier.arrive $0xFFFF  }
0x60: {  	p0 =	sne.s32 s0, $0x0;
	_ =	strace $0x9000004D  }
0x61: {  	s0 =	sadd.s32 @!p0 $0x100000, s1;
	[bflag:$0x2] =	sbarrier.arrive $0xFFFF  }
0x62: {  	[sflag:s0] =	ssyncadd.tile.s32 @!p0 $0x1;
	_ =	shalt  }
.Lfunc_end2:
_tile_overlayer_lowered:
.L_overlay_start_2:
0x63: {  	(tag) =	ssettag $0x2  }
0x64: {  	s0 =	rddreg [dreg:$0x0];
	s2 =	stileid.u32  }
0x65: {  	s1 =	rddreg [dreg:$0x1];
	p0 =	sne.s32 s2, $0x0  }
0x66: {  	s3 =	rddreg [dreg:$0x2];
	[bflag:$0x3] =	sbarrier.arrive $0xFFFF;
	s2 =	simm.s32 @!p0 $0x1C05  }
0x67: {  	[timem:s3], [sflag:s2] =	dma.local @!p0 [hbm:s0], s1  }
0x68: {  	s0 =	simm.s32 @!p0 $0x5  }
0x69: {  	_ =	swait.ge @!p0 [sflag:s0], s1  }
0x6a: {  	s1 =	ssub.s32 @!p0 $0x0, s1;
	[sflag:s0] =	ssyncset.done @!p0 $0x0  }
0x6b: {  	[sflag:s0] =	ssyncadd.s32 @!p0 s1  }
0x6c: {  	[bflag:$0x3] =	sbarrier.arrive $0xFFFF  }
0x6d: {  	_ =	shalt  }

// kernel: kernel.20.cloned.1.call-start
scs
__scs_entry_jumppad:
0x0: {  	(pc) =	sbr.rel $0x88, $3  }
0x1: {  	(tag) =	ssettag $0x0;
	lr =	simm.s32 $0x1  }
0x2: {  	[smem:$0x3F8F] =	sst lr;
	_ =	strace $0xD0000000  }
0x3: {  	_ = 	snop  }
0x4: {  	_ = 	snop  }
0x5: {  	_ = 	snop  }
0x6: {  	_ = 	snop  }
0x7: {  	_ = 	snop  }
__scs_overlays_trampoline_lowered:
0x8: {  	[smem:$0x3F9E] =	sst s0  }
0x9: {  	[smem:$0x3F9F] =	sst s1  }
0xa: {  	[smem:$0x3FA0] =	sst s2  }
0xb: {  	[smem:$0x3FA1] =	sst s3  }
0xc: {  	[smem:$0x3FA2] =	sst s4  }
0xd: {  	[smem:$0x3FA3] =	sst s5  }
0xe: {  	[smem:$0x3FA4] =	sst s6  }
0xf: {  	[smem:$0x3FA5] =	sst s7  }
0x10: {  	[smem:$0x3FA6] =	sst s8  }
0x11: {  	[smem:$0x3FA7] =	sst s9;
	s0 =	simm.s32 @!p0 $0x0  }
0x12: {  	s1 =	sld [smem:$0x3F8D];
	s0 =	simm.s32 @p0 $0x1  }
0x13: {  	[smem:$0x3FA8] =	sst s0;
	s0 =	simm.s32 @!p1 $0x0  }
0x14: {  	s2 =	sld [smem:$0x3F8C];
	s0 =	simm.s32 @p1 $0x1  }
0x15: {  	[smem:$0x3FA9] =	sst s0;
	s0 =	simm.s32 @!p2 $0x0  }
0x16: {  	s3 =	sld [smem:$0x3FDB];
	s0 =	simm.s32 @p2 $0x1  }
0x17: {  	s4 =	simm.s32 $0x1BF5;
	[smem:$0x3FAB] =	sst s0  }
0x18: {  	s0 =	sld [smem:$0x3F8E];
	_ =	swait.ge [sflag:s4], $0x0  }
0x19: {  	s7 =	sld [smem:$0x3F8F]  }
0x1a: {  	s8 =	sadd.s32 $0xFFFFE003, lr  }
0x1b: {  	s9 =	sadd.s32 $0xFFFFFEF7, lr;
	s5 =	simm.s32 $0xFFFFFFFF;
	p2 =	slt.u32 s8, $0xFFFFF086  }
0x1c: {  	p1 =	slt.u32 s9, $0xF7A;
	s5 =	simm.s32 @!p2 $0x0  }
0x1d: {  	s5 =	simm.s32 @p1 $0x1;
	p0 =	seq.s32 s7, s2  }
0x1e: {  	s7 =	smul.u32 @!p0 $0xF7A, s2;
	p2 =	seq.s32 @!p0 s5, $0x0  }
0x1f: {  	s9 =	smul.u32 $0xF7A, s1;
	s8 =	simm.s32 @!p0 $0x1BF5;
	p2 =	por !p2, p0  }
0x20: {  	[sflag:s8] =	ssyncset.s32 @!p0 $0xFFFFF086;
	s6 =	sadd.s32 @!p0 s3, s7;
	s7 =	simm.s32 @!p0 $0x108  }
0x21: {  	s3 =	sadd.s32 s3, s9;
	s6 =	sadd.s32 @!p0 $0x88, s6;
	s7 =	simm.s32 @p2 $0x1082  }
0x22: {  	[simem:s7], [sflag:s8] =	dma.local @!p0 [hbm:s6], $0xF7A  }
0x23: {  	s9 =	sor.u32 $0xD0000000, s2;
	s6 =	simm.s32 $0x108;
	_ =	swait.ge @!p0 [sflag:s8], $0x0  }
0x24: {  	s3 =	sadd.s32 $0x88, s3;
	s6 =	simm.s32 @!p1 $0x1082;
	[sflag:s4] =	ssyncset.s32 $0xFFFFF086  }
0x25: {  	[simem:s6], [sflag:s4] =	dma.local [hbm:s3], $0xF7A  }
0x26: {  	[smem:$0x3F8F] =	sst s1;
	(tag) =	ssettag s2;
	_ =	strace s9  }
0x27: {  	s1 =	sld [smem:$0x3F9F]  }
0x28: {  	s2 =	sld [smem:$0x3FA0]  }
0x29: {  	s4 =	sld [smem:$0x3FA2]  }
0x2a: {  	p0 =	seq.s32 s5, $0x0;
	s5 =	sld [smem:$0x3FA3]  }
0x2b: {  	s6 =	sld [smem:$0x3FA4]  }
0x2c: {  	s7 =	sld [smem:$0x3FA5]  }
0x2d: {  	s3 =	simm.s32 $0x108;
	s8 =	sld [smem:$0x3FA6]  }
0x2e: {  	s3 =	simm.s32 @!p0 $0x1082;
	s9 =	sld [smem:$0x3FA7]  }
0x2f: {  	lr =	sadd.s32 s0, s3;
	s0 =	sld [smem:$0x3F9E]  }
0x30: {  	s3 =	sld [smem:$0x3FA1]  }
0x31: {  	[smem:$0x3FAA] =	sst s10  }
0x32: {  	s10 =	sld [smem:$0x3FA8];
	_ =	sdelay $0x3  }
0x33: {  	p0 =	seq.s32 s10, $0x1;
	s10 =	sld [smem:$0x3FAA];
	_ =	sdelay $0x3  }
0x34: {  	[smem:$0x3FAA] =	sst s10  }
0x35: {  	s10 =	sld [smem:$0x3FA9];
	_ =	sdelay $0x3  }
0x36: {  	p1 =	seq.s32 s10, $0x1;
	s10 =	sld [smem:$0x3FAA];
	_ =	sdelay $0x3  }
0x37: {  	[smem:$0x3FAA] =	sst s10  }
0x38: {  	s10 =	sld [smem:$0x3FAB]  }
0x39: {  	_ = 	snop;
	(pc) =	sbr.ind lr, $3  }
0x3a: {  	_ = 	snop  }
0x3b: {  	_ = 	snop  }
0x3c: {  	p2 =	seq.s32 s10, $0x1;
	s10 =	sld [smem:$0x3FAA]  }
0x3d: {  	_ =	shalt  }
0x3e: {  	_ =	shalt  }
0x3f: {  	_ =	shalt  }
0x40: {  	_ =	shalt  }
0x41: {  	_ =	shalt  }
0x42: {  	_ =	shalt  }
0x43: {  	_ =	shalt  }
0x44: {  	_ =	shalt  }
0x45: {  	_ =	shalt  }
0x46: {  	_ =	shalt  }
0x47: {  	_ =	shalt  }
0x48: {  	_ =	shalt  }
0x49: {  	_ =	shalt  }
0x4a: {  	_ =	shalt  }
0x4b: {  	_ =	shalt  }
0x4c: {  	_ =	shalt  }
0x4d: {  	_ =	shalt  }
0x4e: {  	_ =	shalt  }
0x4f: {  	_ =	shalt  }
0x50: {  	_ =	shalt  }
0x51: {  	_ =	shalt  }
0x52: {  	_ =	shalt  }
0x53: {  	_ =	shalt  }
0x54: {  	_ =	shalt  }
0x55: {  	_ =	shalt  }
0x56: {  	_ =	shalt  }
0x57: {  	_ =	shalt  }
0x58: {  	_ =	shalt  }
0x59: {  	_ =	shalt  }
0x5a: {  	_ =	shalt  }
0x5b: {  	_ =	shalt  }
0x5c: {  	_ =	shalt  }
0x5d: {  	_ =	shalt  }
0x5e: {  	_ =	shalt  }
0x5f: {  	_ =	shalt  }
0x60: {  	_ =	shalt  }
0x61: {  	_ =	shalt  }
0x62: {  	_ =	shalt  }
0x63: {  	_ =	shalt  }
0x64: {  	_ =	shalt  }
0x65: {  	_ =	shalt  }
0x66: {  	_ =	shalt  }
0x67: {  	_ =	shalt  }
0x68: {  	_ =	shalt  }
0x69: {  	_ =	shalt  }
0x6a: {  	_ =	shalt  }
0x6b: {  	_ =	shalt  }
0x6c: {  	_ =	shalt  }
0x6d: {  	_ =	shalt  }
0x6e: {  	_ =	shalt  }
0x6f: {  	_ =	shalt  }
0x70: {  	_ =	shalt  }
0x71: {  	_ =	shalt  }
0x72: {  	_ =	shalt  }
0x73: {  	_ =	shalt  }
0x74: {  	_ =	shalt  }
0x75: {  	_ =	shalt  }
0x76: {  	_ =	shalt  }
0x77: {  	_ =	shalt  }
0x78: {  	_ =	shalt  }
0x79: {  	_ =	shalt  }
0x7a: {  	_ =	shalt  }
0x7b: {  	_ =	shalt  }
0x7c: {  	_ =	shalt  }
0x7d: {  	_ =	shalt  }
0x7e: {  	_ =	shalt  }
0x7f: {  	_ =	shalt  }
0x80: {  	_ =	shalt  }
0x81: {  	_ =	shalt  }
0x82: {  	_ =	shalt  }
0x83: {  	_ =	shalt  }
0x84: {  	_ =	shalt  }
0x85: {  	_ =	shalt  }
0x86: {  	_ =	shalt  }
0x87: {  	_ =	shalt  }
.Lfunc_end0:
.L_simem_size_0:
called_computation.3_lowered:
.L_overlay_start_0:
0x88: {  	s2 =	sld [smem:$0x3FD9]  }
0x89: {  	s3 =	sld [smem:$0x3FFE];
	_ =	sdelay $0x1  }
0x8a: {  	s1 =	srdreg.scid  }
0x8b: {  	s0 =	sand.u32 $0x1, s1  }
0x8c: {  	s17 =	sshll.u32 s0, $0xA;
	s2 =	sadd.s32 s3, s2  }
0x8d: {  	s2 =	sadd.s32 s2, s17  }
0x8e: {  	[smem:$0x3FB6] =	sst s2  }
0x8f: {  	_ = 	snop  }
0x90: {  	s2 =	sld [smem:$0x3FD0];
	(tm) =	ssettm $0x1  }
0x91: {  	s18 =	sld [smem:$0x3FFB];
	_ =	sdelay $0x3  }
0x92: {  	_ =	strace s18  }
0x93: {  	s3 =	sld [smem:$0x3FFC];
	_ =	sdelay $0x3  }
0x94: {  	_ =	strace s3  }
0x95: {  	s3 =	sld [smem:$0x3FFD];
	_ =	sdelay $0x3  }
0x96: {  	_ =	strace s3  }
0x97: {  	_ =	strace $0x8FFFFFFF  }
0x98: {  	s19 =	sld [smem:$0x3FDB];
	_ =	sdelay $0x1  }
0x99: {  	s4 =	simm.s32 $_scs_section_size  }
0x9a: {  	s5 =	simm.s32 $_size__tile_overlayer_lowered;
	s6 =	simm.s32 $_tile_overlayer_lowered  }
0x9b: {  	s22 =	simm.s32 $0x1BFF;
	s21 =	sshll.u32 s6, $0x1;
	s3 =	sadd.s32 s4, s19  }
0x9c: {  	s7 =	simm.s32 $0x0;
	s20 =	sshll.u32 s5, $0x1;
	s5 =	sadd.s32 s21, s3  }
0x9d: {  	[timem:s7], [sflag:s22] =	dma.local [hbm:s5], s20  }
0x9e: {  	_ =	swait.ge [sflag:s22], s20  }
0x9f: {  	s4 =	ssub.s32 $0x0, s20;
	[sflag:s22] =	ssyncset.done $0x0  }
0xa0: {  	[sflag:s22] =	ssyncadd.s32 s4;
	_ =	sdelay $0x1  }
0xa1: {  	s23 =	simm.s32 $0x1B8B  }
0xa2: {  	_ =	swait.ge [sflag:s23], $0x1  }
0xa3: {  	[sflag:s23] =	ssyncset.done $0x0  }
0xa4: {  	s25 =	simm.s32 $0x1B8E;
	s24 =	sld [smem:$0x3FFE];
	[sflag:s23] =	ssyncadd.s32 $0xFFFFFFFF  }
0xa5: {  	s26 =	simm.s32 $execute0_lowered;
	[smem:$0x3FD2] =	sst s25  }
0xa6: {  	s5 =	sshll.u32 s26, $0x1;
	_ =	strace $0x8000004F;
	[dreg:$0x1] =	wrdreg $0xFFFFFFFF  }
0xa7: {  	s28 =	simm.s32 $_size_execute0_lowered;
	s3 =	sadd.s32 s3, s5;
	[dreg:$0x0] =	wrdreg $0x0  }
0xa8: {  	s5 =	sshll.u32 s28, $0x1;
	[dreg:$0x2] =	wrdreg s3  }
0xa9: {  	[dreg:$0x3] =	wrdreg s5  }
0xaa: {  	[dreg:$0x4] =	wrdreg $0xC0  }
0xab: {  	_ =	task [dreg:s7], $0x5FFFF  }
0xac: {  	[dreg:$0x1] =	wrdreg $0xFFFFFFFF  }
0xad: {  	[dreg:$0x0] =	wrdreg $0x60  }
0xae: {  	[dreg:$0x2] =	wrdreg s24  }
0xaf: {  	[dreg:$0x3] =	wrdreg s2  }
0xb0: {  	[dreg:$0x4] =	wrdreg $0x9  }
0xb1: {  	_ =	task.clear_ibuf [dreg:s7], $0x5FFFF;
	_ =	strace $0x9000004F  }
0xb2: {  	s29 =	simm.s32 $0x9;
	_ =	strace $0x80000051  }
0xb3: {  	_ =	swait.ge [sflag:s29], $0x1  }
0xb4: {  	[sflag:s29] =	ssyncadd.s32 $0xFFFFFFFF  }
0xb5: {  	_ =	strace $0x90000051  }
0xb6: {  	_ =	sfence  }
0xb7: {  	s30 =	sld [smem:$0x0];
	_ =	sdelay $0x2  }
0xb8: {  	s31 =	sshll.u32 s1, $0xD;
	s1 =	sshrl.u32 s1, $0x2  }
0xb9: {  	s3 =	sand.u32 $0x4000, s31;
	s1 =	sadd.s32 s1, s30  }
0xba: {  	s0 =	sor.u32 s3, s0;
	s1 =	sshll.u32 s1, $0x11  }
0xbb: {  	s0 =	sor.u32 s1, s0  }
0xbc: {  	s0 =	sadd.s32 $0x8F2B, s0  }
0xbd: {  	[sflag:s0] =	ssyncadd.remote.s32 $0x1  }
0xbe: {  	_ =	sfence.sel $0xFFFF  }
0xbf: {  	[dreg:$0x0] =	wrdreg $0xFFFFFFFF;
	(pc) =	sbr.abs _section_cstart, $3  }
0xc0: {  	[dreg:$0x1] =	wrdreg $0xFFFFFFFF  }
0xc1: {  	_ =	task.clear_ibuf [dreg:s7], $0x2FFFF;
	_ =	strace $0x9FFFFFFF  }
0xc2: {  	(tm) =	ssettm $0x7FFFFFFF  }
0xc3: {  	_ =	shalt  }
tec
execute0_lowered:
.L_overlay_start_1:
0x0: {  	(tag) =	ssettag $0x1  }
0x1: {  	s1 =	srdreg.scid;
	s9 =	rddreg [dreg:$0x0]  }
0x2: {  	s0 =	stileid.u32;
	s3 =	rddreg [dreg:$0x1]  }
0x3: {  	s2 =	simm.s32 $0x0;
	s7 =	simm.s32 $0x80;
	s6 =	sand.u32 $0x1, s1  }
0x4: {  	s4 =	sshll.u32 s0, $0x7;
	s1 =	rddreg [dreg:$0x2];
	s5 =	sshll.u32 s6, $0x6  }
0x5: {  	s8 =	simm.s32 $0x1;
	[smem:$0x7FF] =	sst s2;
	s10 =	sor.u32 s5, s4  }
0x6: {  	_ =	strace $0x80000050;
	s11 =	ssub.s32 $0x2, s6;
	s4 =	sshrl.u32 s10, $0x3  }
0x7: {  	s6 =	simm.s32 $0x40;
	s4 =	sadd.s32 s3, s4;
	s3 =	simm.s32 $0x2  }
0x8: {  	[tilespmem:s2], [sflag:$0x2] =	stream.linear.gather [hbm4b:s4+s2], $0x40, $0x38;
	[tilespmem:$0x2080] =	vst v63  }
0x9: {  	s5 =	sadd.s32 $0x3400, s9;
	s12 =	sshrl.u32 s11, $0x1;
	_ =	swait.ge [sflag:s3], $0x40  }
0xa: {  	s10 =	sshll.u32 s10, $0x4;
	s31 =	ssub.s32 s11, s12;
	[sflag:s3] =	ssyncset.done $0x0  }
0xb: {  	s9 =	sadd.s32 s10, s9;
	s10 =	smax.u32 s31, $0x1;
	[sflag:s3] =	ssyncadd.s32 $0xFFFFFFC0  }
0xc: {  	[tilespmem:s7], [sflag:$0x1] =	stream.indirect.gather [hbm4b:s5+s6], $0x80, s2, s6, $0xb8;
	[tilespmem:$0x2080] =	vst v63  }
0xd: {  	p0 =	sne.s32 s10, $0x1;
	_ =	swait.ge [sflag:s8], $0x2000  }
.Ltmp0:
0xe: {  	[sflag:s8] =	ssyncset.done $0x0;
	(pc) =	sbr.rel @!p0 .LBB2_2-.Ltmp0, $4  }
0xf: {  	s9 =	sadd.s32 $0x2A600, s9;
	[sflag:s8] =	ssyncadd.s32 $0xFFFFE000  }
0x10: {  	[hbm4b:s9+s2] =	stream.linear.scatter [tilespmem:s7], [sflag:$0x2], $0x2000, $0x38;
	[tilespmem:$0x2080] =	vst v63  }
0x11: {  	_ =	swait.ge [sflag:s3], $0x2000  }
0x12: {  	s10 =	sadd.s32 $0xFFFFFFFF, s10;
	[sflag:s3] =	ssyncset.done $0x0  }
.LBB2_1:
0x13: {  	p0 =	sne.s32 s10, $0x1;
	s10 =	sadd.s32 $0xFFFFFFFF, s10;
	[sflag:s3] =	ssyncadd.s32 $0xFFFFE000  }
0x14: {  	[tilespmem:s2], [sflag:$0x2] =	stream.linear.gather [hbm4b:s4+s2], $0x40, $0x38;
	[tilespmem:$0x2080] =	vst v63  }
0x15: {  	_ =	swait.ge [sflag:s3], $0x40  }
0x16: {  	[sflag:s3] =	ssyncset.done $0x0  }
0x17: {  	[sflag:s3] =	ssyncadd.s32 $0xFFFFFFC0  }
0x18: {  	[tilespmem:s7], [sflag:$0x1] =	stream.indirect.gather [hbm4b:s5+s6], $0x80, s2, s6, $0xb8;
	[tilespmem:$0x2080] =	vst v63  }
0x19: {  	_ =	swait.ge [sflag:s8], $0x2000  }
.Ltmp1:
0x1a: {  	[sflag:s8] =	ssyncset.done $0x0;
	(pc) =	sbr.rel @p0 .LBB2_1-.Ltmp1, $4  }
0x1b: {  	[sflag:s8] =	ssyncadd.s32 $0xFFFFE000  }
0x1c: {  	[hbm4b:s9+s2] =	stream.linear.scatter [tilespmem:s7], [sflag:$0x2], $0x2000, $0x38;
	[tilespmem:$0x2080] =	vst v63  }
0x1d: {  	_ =	swait.ge [sflag:s3], $0x2000  }
0x1e: {  	[sflag:s3] =	ssyncset.done $0x0  }
.LBB2_2:
0x1f: {  	[sflag:s3] =	ssyncadd.s32 $0xFFFFE000  }
0x20: {  	_ =	sfence.sel $0x180000  }
0x21: {  	[bflag:$0x0] =	sbarrier.arrive $0xFFFF  }
0x22: {  	p0 =	sne.s32 s0, $0x0;
	_ =	strace $0x90000050  }
0x23: {  	s0 =	sadd.s32 @!p0 $0x100000, s1;
	[bflag:$0x2] =	sbarrier.arrive $0xFFFF  }
0x24: {  	[sflag:s0] =	ssyncadd.tile.s32 @!p0 $0x1;
	_ =	shalt  }
.Lfunc_end2:
_tile_overlayer_lowered:
.L_overlay_start_2:
0x25: {  	(tag) =	ssettag $0x2  }
0x26: {  	s0 =	rddreg [dreg:$0x0];
	s2 =	stileid.u32  }
0x27: {  	s1 =	rddreg [dreg:$0x1];
	p0 =	sne.s32 s2, $0x0  }
0x28: {  	s3 =	rddreg [dreg:$0x2];
	[bflag:$0x3] =	sbarrier.arrive $0xFFFF;
	s2 =	simm.s32 @!p0 $0x1C02  }
0x29: {  	[timem:s3], [sflag:s2] =	dma.local @!p0 [hbm:s0], s1  }
0x2a: {  	s0 =	simm.s32 @!p0 $0x2  }
0x2b: {  	_ =	swait.ge @!p0 [sflag:s0], s1  }
0x2c: {  	s1 =	ssub.s32 @!p0 $0x0, s1;
	[sflag:s0] =	ssyncset.done @!p0 $0x0  }
0x2d: {  	[sflag:s0] =	ssyncadd.s32 @!p0 s1  }
0x2e: {  	[bflag:$0x3] =	sbarrier.arrive $0xFFFF  }
0x2f: {  	_ =	shalt  }

</sc_bundles>
